<compile_context>
chip_gen: v7x
topology: tpu7x:2x2x1
jax: 0.10.2.dev20260603
libtpu: 0.0.44.dev20260713+nightly
codegen_flags: <defaults>
</compile_context>

<pallas_src>
import functools

import jax
import jax.numpy as jnp
from jax import lax
from jax.experimental import pallas as pl
from jax.experimental.pallas import tpu as pltpu
from jax.experimental.pallas import tpu_sc as plsc

NC = 2
NS = 16
NW = NC * NS
LANES = 16
CHUNK = 128
NBUF = 4


def _make_lookup(n_chunks, v, d):
  cpw = n_chunks // NW
  t_steps = cpw // NBUF
  mesh = plsc.VectorSubcoreMesh(
      core_axis_name="c", subcore_axis_name="s", num_cores=NC, num_subcores=NS
  )

  @functools.partial(
      pl.kernel,
      out_type=jax.ShapeDtypeStruct((n_chunks * CHUNK, d), jnp.float32),
      mesh=mesh,
      scratch_types=dict(
          idx_v=pltpu.VMEM((cpw, CHUNK), jnp.int32),
          tti_v=pltpu.VMEM((cpw, CHUNK), jnp.int32),
          tts=pltpu.VMEM_SHARED((2, d), jnp.float32),
          sbuf=pltpu.VMEM((NBUF, CHUNK, d), jnp.float32),
          psems=[pltpu.SemaphoreType.DMA] * NBUF,
          gsems=[pltpu.SemaphoreType.DMA] * NBUF,
          ssems=[pltpu.SemaphoreType.DMA] * NBUF,
      ),
  )
  def lookup(idx_hbm, tti_hbm, wtab_hbm, ttab_hbm, out_hbm,
             idx_v, tti_v, tts, sbuf, psems, gsems, ssems):
    wid = lax.axis_index("s") * NC + lax.axis_index("c")
    c0 = wid * cpw

    pltpu.sync_copy(idx_hbm.at[pl.ds(c0, cpw)], idx_v)
    pltpu.sync_copy(tti_hbm.at[pl.ds(c0, cpw)], tti_v)

    @pl.when(lax.axis_index("s") == 0)
    def _():
      pltpu.sync_copy(ttab_hbm, tts)

    plsc.subcore_barrier()

    def prefill(g, b):
      pltpu.async_copy(tts.at[tti_v.at[g]], sbuf.at[b], psems[b])

    def prefill_wait(g, b):
      pltpu.make_async_copy(tts.at[tti_v.at[g]], sbuf.at[b], psems[b]).wait()

    def gather_add(g, b):
      pltpu.async_copy(wtab_hbm.at[idx_v.at[g]], sbuf.at[b], gsems[b], add=True)

    def gather_wait(g, b):
      pltpu.make_async_copy(wtab_hbm.at[idx_v.at[g]], sbuf.at[b], gsems[b]).wait()

    def scatter(g, b):
      pltpu.async_copy(
          sbuf.at[b], out_hbm.at[pl.ds((c0 + g) * CHUNK, CHUNK)], ssems[b]
      )

    def scatter_wait(g, b):
      pltpu.make_async_copy(
          sbuf.at[b], out_hbm.at[pl.ds((c0 + g) * CHUNK, CHUNK)], ssems[b]
      ).wait()

    def outer(t, carry):
      for b in range(NBUF):
        g = t * NBUF + b
        @pl.when(t > 0)
        def _():
          scatter_wait(g - NBUF, b)
          prefill(g, b)

        @pl.when(t == 0)
        def _():
          prefill(g, b)

        bh = (b - 1) % NBUF
        if b == 0:
          @pl.when(t > 0)
          def _():
            prefill_wait(g - 1, bh)
            gather_add(g - 1, bh)
        else:
          prefill_wait(g - 1, bh)
          gather_add(g - 1, bh)

        bk = (b - 2) % NBUF
        if b <= 1:
          @pl.when(t > 0)
          def _():
            gather_wait(g - 2, bk)
            scatter(g - 2, bk)
        else:
          gather_wait(g - 2, bk)
          scatter(g - 2, bk)
      return carry

    lax.fori_loop(0, t_steps, outer, 0)

    last = cpw - 1
    prefill_wait(last, last % NBUF)
    gather_add(last, last % NBUF)
    gather_wait(last - 1, (last - 1) % NBUF)
    scatter(last - 1, (last - 1) % NBUF)
    gather_wait(last, last % NBUF)
    scatter(last, last % NBUF)
    for b in range(NBUF):
      g = cpw - NBUF + b
      scatter_wait(g, g % NBUF)

  return lookup


def kernel(input_ids, token_type_ids, word_embeddings, token_type_embeddings):
  b, l = input_ids.shape
  v, d = word_embeddings.shape
  n = b * l
  n_chunks = n // CHUNK
  idx2d = input_ids.reshape(n_chunks, CHUNK).astype(jnp.int32)
  tti2d = token_type_ids.reshape(n_chunks, CHUNK).astype(jnp.int32)
  out = _make_lookup(n_chunks, v, d)(
      idx2d, tti2d, word_embeddings, token_type_embeddings.astype(jnp.float32)
  )
  return out.reshape(b, l, d)

# --- scband reference (transcript-rebuilt; emitter-appended) ---
"""Pipeline reference for scband-htransformer1-dembeddings-53223234732672 (READ-ONLY COPY).

The authoritative reference and input builder live on the scoring server;
editing this copy changes nothing except your own understanding.
"""

import jax, jax.numpy as jnp
import numpy as np

VOCAB = 100000
HIDDEN = 128
TYPE_VOCAB = 2
PAD_IDX = 0
B = 4096
L = 200


def setup_inputs(seed: int = 0) -> dict:
    key = jax.random.key(seed)
    k1, k2, k3, k4 = jax.random.split(key, 4)
    input_ids = jax.random.randint(k1, (B, L), 0, VOCAB, dtype=jnp.int64 if jax.config.jax_enable_x64 else jnp.int32)
    token_type_ids = jax.random.randint(k2, (B, L), 0, TYPE_VOCAB, dtype=jnp.int64 if jax.config.jax_enable_x64 else jnp.int32)
    word_embeddings = jax.random.normal(k3, (VOCAB, HIDDEN), dtype=jnp.float32) * 0.02
    # nn.Embedding with padding_idx initializes that row to zeros
    word_embeddings = word_embeddings.at[PAD_IDX].set(0.0)
    token_type_embeddings = jax.random.normal(k4, (TYPE_VOCAB, HIDDEN), dtype=jnp.float32) * 0.02
    return {
        "input_ids": input_ids,
        "token_type_ids": token_type_ids,
        "word_embeddings": word_embeddings,
        "token_type_embeddings": token_type_embeddings,
    }


def reference(input_ids, token_type_ids, word_embeddings, token_type_embeddings):
    # inputs_embeds = word_embeddings(input_ids)
    inputs_embeds = jnp.take(word_embeddings, input_ids, axis=0)
    # token_type_embeddings lookup
    tt_embeds = jnp.take(token_type_embeddings, token_type_ids, axis=0)
    embeddings = inputs_embeds + tt_embeds
    return embeddings

if __name__ == "__main__":
    import jax
    _d = setup_inputs()
    print(jax.jit(kernel)(*tuple(_d.values())))

</pallas_src>

<mosaic_0001>
#map = affine_map<(d0, d1) -> (0, 0)>
module attributes {stable_mosaic.version = 14 : i64} {
  func.func @lookup(%arg0: i32, %arg1: i32, %arg2: memref<6400x128xi32, #tpu.memory_space<hbm>>, %arg3: memref<6400x128xi32, #tpu.memory_space<hbm>>, %arg4: memref<100000x128xf32, #tpu.memory_space<hbm>>, %arg5: memref<2x128xf32, #tpu.memory_space<hbm>>, %arg6: memref<819200x128xf32, #tpu.memory_space<hbm>>, %arg7: memref<!tpu.dma_semaphore, #tpu.memory_space<semaphore_mem>>, %arg8: memref<!tpu.dma_semaphore, #tpu.memory_space<semaphore_mem>>, %arg9: memref<!tpu.dma_semaphore, #tpu.memory_space<semaphore_mem>>, %arg10: memref<!tpu.dma_semaphore, #tpu.memory_space<semaphore_mem>>, %arg11: memref<200x128xi32, #tpu.memory_space<vmem>>, %arg12: memref<!tpu.dma_semaphore, #tpu.memory_space<semaphore_mem>>, %arg13: memref<!tpu.dma_semaphore, #tpu.memory_space<semaphore_mem>>, %arg14: memref<!tpu.dma_semaphore, #tpu.memory_space<semaphore_mem>>, %arg15: memref<!tpu.dma_semaphore, #tpu.memory_space<semaphore_mem>>, %arg16: memref<4x128x128xf32, #tpu.memory_space<vmem>>, %arg17: memref<!tpu.dma_semaphore, #tpu.memory_space<semaphore_mem>>, %arg18: memref<!tpu.dma_semaphore, #tpu.memory_space<semaphore_mem>>, %arg19: memref<!tpu.dma_semaphore, #tpu.memory_space<semaphore_mem>>, %arg20: memref<!tpu.dma_semaphore, #tpu.memory_space<semaphore_mem>>, %arg21: memref<200x128xi32, #tpu.memory_space<vmem>>, %arg22: memref<2x128xf32, #tpu.memory_space<vmem_shared>>) attributes {dimension_semantics = [#tpu.dimension_semantics<core_parallel>, #tpu.dimension_semantics<subcore_parallel>], iteration_bounds = array<i64: 2, 16>, scalar_prefetch = 0 : i64, scratch_operands = 16 : i64, tpu.core_type = #tpu.core_type<sc_vector_subcore>, window_params = [{transform_indices = #map}, {transform_indices = #map}, {transform_indices = #map}, {transform_indices = #map}, {transform_indices = #map}]} {
    %mul3A = arith.constant 2 : i32
    %mul3A_0 = arith.muli %arg1, %mul3A : i32
    %add3A = arith.addi %mul3A_0, %arg0 : i32
    %mul3A_1 = arith.constant 200 : i32
    %mul3A_2 = arith.muli %add3A, %mul3A_1 : i32
    "tpu.region"() ({
      %run_scoped3A = tpu.sem_alloc : memref<!tpu.dma_semaphore, #tpu.memory_space<semaphore_mem>>
      %dma_start3A_158 = arith.constant 0 : i32
      %dma_start3A_159 = tpu.memref_slice %arg2[%mul3A_2, %dma_start3A_158] : memref<6400x128xi32, #tpu.memory_space<hbm>> -> memref<200x128xi32, #tpu.memory_space<hbm>>
      %dma_start3A_160 = arith.constant 0 : i32
      %dma_start3A_161 = tpu.memref_slice %arg2[%mul3A_2, %dma_start3A_160] : memref<6400x128xi32, #tpu.memory_space<hbm>> -> memref<200x128xi32, #tpu.memory_space<hbm>>
      tpu.enqueue_dma source(%dma_start3A_161 : memref<200x128xi32, #tpu.memory_space<hbm>>) target(%arg11 : memref<200x128xi32, #tpu.memory_space<vmem>>) target_semaphore(%run_scoped3A : memref<!tpu.dma_semaphore, #tpu.memory_space<semaphore_mem>>)
      %dma_wait3A_162 = arith.constant 0 : i32
      %dma_wait3A_163 = tpu.memref_slice %arg2[%mul3A_2, %dma_wait3A_162] : memref<6400x128xi32, #tpu.memory_space<hbm>> -> memref<200x128xi32, #tpu.memory_space<hbm>>
      %dma_wait3A_164 = arith.constant 0 : i32
      %dma_wait3A_165 = tpu.memref_slice %arg2[%mul3A_2, %dma_wait3A_164] : memref<6400x128xi32, #tpu.memory_space<hbm>> -> memref<200x128xi32, #tpu.memory_space<hbm>>
      tpu.wait_dma2 semaphore(%run_scoped3A : memref<!tpu.dma_semaphore, #tpu.memory_space<semaphore_mem>>) src(%dma_wait3A_165 : memref<200x128xi32, #tpu.memory_space<hbm>>) dst(%arg11 : memref<200x128xi32, #tpu.memory_space<vmem>>)
      tpu.yield
    }) : () -> ()
    "tpu.region"() ({
      %run_scoped3A = tpu.sem_alloc : memref<!tpu.dma_semaphore, #tpu.memory_space<semaphore_mem>>
      %dma_start3A_158 = arith.constant 0 : i32
      %dma_start3A_159 = tpu.memref_slice %arg3[%mul3A_2, %dma_start3A_158] : memref<6400x128xi32, #tpu.memory_space<hbm>> -> memref<200x128xi32, #tpu.memory_space<hbm>>
      %dma_start3A_160 = arith.constant 0 : i32
      %dma_start3A_161 = tpu.memref_slice %arg3[%mul3A_2, %dma_start3A_160] : memref<6400x128xi32, #tpu.memory_space<hbm>> -> memref<200x128xi32, #tpu.memory_space<hbm>>
      tpu.enqueue_dma source(%dma_start3A_161 : memref<200x128xi32, #tpu.memory_space<hbm>>) target(%arg21 : memref<200x128xi32, #tpu.memory_space<vmem>>) target_semaphore(%run_scoped3A : memref<!tpu.dma_semaphore, #tpu.memory_space<semaphore_mem>>)
      %dma_wait3A_162 = arith.constant 0 : i32
      %dma_wait3A_163 = tpu.memref_slice %arg3[%mul3A_2, %dma_wait3A_162] : memref<6400x128xi32, #tpu.memory_space<hbm>> -> memref<200x128xi32, #tpu.memory_space<hbm>>
      %dma_wait3A_164 = arith.constant 0 : i32
      %dma_wait3A_165 = tpu.memref_slice %arg3[%mul3A_2, %dma_wait3A_164] : memref<6400x128xi32, #tpu.memory_space<hbm>> -> memref<200x128xi32, #tpu.memory_space<hbm>>
      tpu.wait_dma2 semaphore(%run_scoped3A : memref<!tpu.dma_semaphore, #tpu.memory_space<semaphore_mem>>) src(%dma_wait3A_165 : memref<200x128xi32, #tpu.memory_space<hbm>>) dst(%arg21 : memref<200x128xi32, #tpu.memory_space<vmem>>)
      tpu.yield
    }) : () -> ()
    %eq3A = arith.constant 0 : i32
    %eq3A_3 = arith.cmpi eq, %arg1, %eq3A : i32
    %convert_element_type3A = arith.extui %eq3A_3 : i1 to i32
    %cond3A = arith.constant 0 : i32
    %cond3A_4 = arith.cmpi ne, %convert_element_type3A, %cond3A : i32
    scf.if %cond3A_4 {
      "tpu.region"() ({
        %run_scoped3A = tpu.sem_alloc : memref<!tpu.dma_semaphore, #tpu.memory_space<semaphore_mem>>
        tpu.enqueue_dma source(%arg5 : memref<2x128xf32, #tpu.memory_space<hbm>>) target(%arg22 : memref<2x128xf32, #tpu.memory_space<vmem_shared>>) target_semaphore(%run_scoped3A : memref<!tpu.dma_semaphore, #tpu.memory_space<semaphore_mem>>)
        tpu.wait_dma2 semaphore(%run_scoped3A : memref<!tpu.dma_semaphore, #tpu.memory_space<semaphore_mem>>) src(%arg5 : memref<2x128xf32, #tpu.memory_space<hbm>>) dst(%arg22 : memref<2x128xf32, #tpu.memory_space<vmem_shared>>)
        tpu.yield
      }) : () -> ()
    } else {
    }
    %barrier3A = arith.constant 0 : index
    tpu.barrier barrier_id(%barrier3A)
    %scan3A = arith.constant 0 : i32
    %scan3A_5 = arith.constant 0 : i32
    %scan3A_6 = arith.constant 50 : i32
    %scan3A_7 = arith.addi %scan3A_5, %scan3A_6 : i32
    %scan3A_8 = arith.constant 1 : i32
    scf.for %scan3A_158 = %scan3A_5 to %scan3A_7 step %scan3A_8  : i32 {
      %mul3A_159 = arith.constant 4 : i32
      %mul3A_160 = arith.muli %scan3A_158, %mul3A_159 : i32
      %add3A_161 = arith.constant 0 : i32
      %add3A_162 = arith.addi %mul3A_160, %add3A_161 : i32
      %gt3A = arith.constant 0 : i32
      %gt3A_163 = arith.cmpi sgt, %scan3A_158, %gt3A : i32
      %convert_element_type3A_164 = arith.extui %gt3A_163 : i1 to i32
      %cond3A_165 = arith.constant 0 : i32
      %cond3A_166 = arith.cmpi ne, %convert_element_type3A_164, %cond3A_165 : i32
      scf.if %cond3A_166 {
        %sub3A_368 = arith.constant 4 : i32
        %sub3A_369 = arith.subi %add3A_162, %sub3A_368 : i32
        %add3A_370 = arith.addi %mul3A_2, %sub3A_369 : i32
        %mul3A_371 = arith.constant 128 : i32
        %mul3A_372 = arith.muli %add3A_370, %mul3A_371 : i32
        %dma_wait3A_373 = arith.constant 0 : i32
        %dma_wait3A_374 = arith.constant 0 : i32
        %dma_wait3A_375 = arith.constant 0 : i32
        %dma_wait3A_376 = tpu.memref_slice %arg16[%dma_wait3A_373, %dma_wait3A_374, %dma_wait3A_375] : memref<4x128x128xf32, #tpu.memory_space<vmem>> -> memref<1x128x128xf32, #tpu.memory_space<vmem>>
        %dma_wait3A_377 = tpu.memref_squeeze %dma_wait3A_376 : memref<1x128x128xf32, #tpu.memory_space<vmem>> -> memref<128x128xf32, #tpu.memory_space<vmem>>
        %dma_wait3A_378 = arith.constant 0 : i32
        %dma_wait3A_379 = tpu.memref_slice %arg6[%mul3A_372, %dma_wait3A_378] : memref<819200x128xf32, #tpu.memory_space<hbm>> -> memref<128x128xf32, #tpu.memory_space<hbm>>
        %dma_wait3A_380 = arith.constant 0 : i32
        %dma_wait3A_381 = tpu.memref_slice %arg6[%mul3A_372, %dma_wait3A_380] : memref<819200x128xf32, #tpu.memory_space<hbm>> -> memref<128x128xf32, #tpu.memory_space<hbm>>
        %dma_wait3A_382 = arith.constant 0 : i32
        %dma_wait3A_383 = arith.constant 0 : i32
        %dma_wait3A_384 = tpu.memref_slice %arg16[%dma_wait3A_373, %dma_wait3A_382, %dma_wait3A_383] : memref<4x128x128xf32, #tpu.memory_space<vmem>> -> memref<1x128x128xf32, #tpu.memory_space<vmem>>
        %dma_wait3A_385 = tpu.memref_squeeze %dma_wait3A_384 : memref<1x128x128xf32, #tpu.memory_space<vmem>> -> memref<128x128xf32, #tpu.memory_space<vmem>>
        tpu.wait_dma2 semaphore(%arg17 : memref<!tpu.dma_semaphore, #tpu.memory_space<semaphore_mem>>) src(%dma_wait3A_385 : memref<128x128xf32, #tpu.memory_space<vmem>>) dst(%dma_wait3A_381 : memref<128x128xf32, #tpu.memory_space<hbm>>)
        %dma_start3A_386 = arith.constant 0 : i32
        %dma_start3A_387 = arith.constant 0 : i32
        %dma_start3A_388 = arith.constant 0 : i32
        %dma_start3A_389 = tpu.memref_slice %arg16[%dma_start3A_386, %dma_start3A_387, %dma_start3A_388] : memref<4x128x128xf32, #tpu.memory_space<vmem>> -> memref<1x128x128xf32, #tpu.memory_space<vmem>>
        %dma_start3A_390 = tpu.memref_squeeze %dma_start3A_389 : memref<1x128x128xf32, #tpu.memory_space<vmem>> -> memref<128x128xf32, #tpu.memory_space<vmem>>
        %dma_start3A_391 = arith.constant 0 : i32
        %dma_start3A_392 = tpu.memref_slice %arg21[%add3A_162, %dma_start3A_391] : memref<200x128xi32, #tpu.memory_space<vmem>> -> memref<1x128xi32, #tpu.memory_space<vmem>>
        %dma_start3A_393 = tpu.memref_squeeze %dma_start3A_392 : memref<1x128xi32, #tpu.memory_space<vmem>> -> memref<128xi32, #tpu.memory_space<vmem>>
        %dma_start3A_394 = arith.constant 0 : i32
        %dma_start3A_395 = arith.constant 0 : i32
        %dma_start3A_396 = tpu.memref_slice %arg22[%dma_start3A_394, %dma_start3A_395] : memref<2x128xf32, #tpu.memory_space<vmem_shared>> -> memref<2x128xf32, #tpu.memory_space<vmem_shared>>
        tpu.enqueue_indirect_dma source(%dma_start3A_396 : memref<2x128xf32, #tpu.memory_space<vmem_shared>>) target(%dma_start3A_390 : memref<128x128xf32, #tpu.memory_space<vmem>>) offsets(%dma_start3A_393 : memref<128xi32, #tpu.memory_space<vmem>>) semaphore(%arg12 : memref<!tpu.dma_semaphore, #tpu.memory_space<semaphore_mem>>)
      } else {
      }
      %eq3A_167 = arith.constant 0 : i32
      %eq3A_168 = arith.cmpi eq, %scan3A_158, %eq3A_167 : i32
      %convert_element_type3A_169 = arith.extui %eq3A_168 : i1 to i32
      %cond3A_170 = arith.constant 0 : i32
      %cond3A_171 = arith.cmpi ne, %convert_element_type3A_169, %cond3A_170 : i32
      scf.if %cond3A_171 {
        %dma_start3A_368 = arith.constant 0 : i32
        %dma_start3A_369 = arith.constant 0 : i32
        %dma_start3A_370 = arith.constant 0 : i32
        %dma_start3A_371 = tpu.memref_slice %arg16[%dma_start3A_368, %dma_start3A_369, %dma_start3A_370] : memref<4x128x128xf32, #tpu.memory_space<vmem>> -> memref<1x128x128xf32, #tpu.memory_space<vmem>>
        %dma_start3A_372 = tpu.memref_squeeze %dma_start3A_371 : memref<1x128x128xf32, #tpu.memory_space<vmem>> -> memref<128x128xf32, #tpu.memory_space<vmem>>
        %dma_start3A_373 = arith.constant 0 : i32
        %dma_start3A_374 = tpu.memref_slice %arg21[%add3A_162, %dma_start3A_373] : memref<200x128xi32, #tpu.memory_space<vmem>> -> memref<1x128xi32, #tpu.memory_space<vmem>>
        %dma_start3A_375 = tpu.memref_squeeze %dma_start3A_374 : memref<1x128xi32, #tpu.memory_space<vmem>> -> memref<128xi32, #tpu.memory_space<vmem>>
        %dma_start3A_376 = arith.constant 0 : i32
        %dma_start3A_377 = arith.constant 0 : i32
        %dma_start3A_378 = tpu.memref_slice %arg22[%dma_start3A_376, %dma_start3A_377] : memref<2x128xf32, #tpu.memory_space<vmem_shared>> -> memref<2x128xf32, #tpu.memory_space<vmem_shared>>
        tpu.enqueue_indirect_dma source(%dma_start3A_378 : memref<2x128xf32, #tpu.memory_space<vmem_shared>>) target(%dma_start3A_372 : memref<128x128xf32, #tpu.memory_space<vmem>>) offsets(%dma_start3A_375 : memref<128xi32, #tpu.memory_space<vmem>>) semaphore(%arg12 : memref<!tpu.dma_semaphore, #tpu.memory_space<semaphore_mem>>)
      } else {
      }
      %gt3A_172 = arith.constant 0 : i32
      %gt3A_173 = arith.cmpi sgt, %scan3A_158, %gt3A_172 : i32
      %convert_element_type3A_174 = arith.extui %gt3A_173 : i1 to i32
      %cond3A_175 = arith.constant 0 : i32
      %cond3A_176 = arith.cmpi ne, %convert_element_type3A_174, %cond3A_175 : i32
      scf.if %cond3A_176 {
        %sub3A_368 = arith.constant 1 : i32
        %sub3A_369 = arith.subi %add3A_162, %sub3A_368 : i32
        %dma_wait3A_370 = arith.constant 3 : i32
        %dma_wait3A_371 = arith.constant 0 : i32
        %dma_wait3A_372 = arith.constant 0 : i32
        %dma_wait3A_373 = tpu.memref_slice %arg16[%dma_wait3A_370, %dma_wait3A_371, %dma_wait3A_372] : memref<4x128x128xf32, #tpu.memory_space<vmem>> -> memref<1x128x128xf32, #tpu.memory_space<vmem>>
        %dma_wait3A_374 = tpu.memref_squeeze %dma_wait3A_373 : memref<1x128x128xf32, #tpu.memory_space<vmem>> -> memref<128x128xf32, #tpu.memory_space<vmem>>
        %dma_wait3A_375 = arith.constant 0 : i32
        %dma_wait3A_376 = tpu.memref_slice %arg21[%sub3A_369, %dma_wait3A_375] : memref<200x128xi32, #tpu.memory_space<vmem>> -> memref<1x128xi32, #tpu.memory_space<vmem>>
        %dma_wait3A_377 = tpu.memref_squeeze %dma_wait3A_376 : memref<1x128xi32, #tpu.memory_space<vmem>> -> memref<128xi32, #tpu.memory_space<vmem>>
        %dma_wait3A_378 = arith.constant 0 : i32
        %dma_wait3A_379 = arith.constant 0 : i32
        %dma_wait3A_380 = tpu.memref_slice %arg22[%dma_wait3A_378, %dma_wait3A_379] : memref<2x128xf32, #tpu.memory_space<vmem_shared>> -> memref<2x128xf32, #tpu.memory_space<vmem_shared>>
        tpu.wait_indirect_dma semaphore(%arg15 : memref<!tpu.dma_semaphore, #tpu.memory_space<semaphore_mem>>) src(%dma_wait3A_380 : memref<2x128xf32, #tpu.memory_space<vmem_shared>>) dst(%dma_wait3A_374 : memref<128x128xf32, #tpu.memory_space<vmem>>)
        %sub3A_381 = arith.constant 1 : i32
        %sub3A_382 = arith.subi %add3A_162, %sub3A_381 : i32
        %dma_start3A_383 = arith.constant 3 : i32
        %dma_start3A_384 = arith.constant 0 : i32
        %dma_start3A_385 = arith.constant 0 : i32
        %dma_start3A_386 = tpu.memref_slice %arg16[%dma_start3A_383, %dma_start3A_384, %dma_start3A_385] : memref<4x128x128xf32, #tpu.memory_space<vmem>> -> memref<1x128x128xf32, #tpu.memory_space<vmem>>
        %dma_start3A_387 = tpu.memref_squeeze %dma_start3A_386 : memref<1x128x128xf32, #tpu.memory_space<vmem>> -> memref<128x128xf32, #tpu.memory_space<vmem>>
        %dma_start3A_388 = arith.constant 0 : i32
        %dma_start3A_389 = tpu.memref_slice %arg11[%sub3A_382, %dma_start3A_388] : memref<200x128xi32, #tpu.memory_space<vmem>> -> memref<1x128xi32, #tpu.memory_space<vmem>>
        %dma_start3A_390 = tpu.memref_squeeze %dma_start3A_389 : memref<1x128xi32, #tpu.memory_space<vmem>> -> memref<128xi32, #tpu.memory_space<vmem>>
        %dma_start3A_391 = arith.constant 0 : i32
        %dma_start3A_392 = arith.constant 0 : i32
        %dma_start3A_393 = tpu.memref_slice %arg4[%dma_start3A_391, %dma_start3A_392] : memref<100000x128xf32, #tpu.memory_space<hbm>> -> memref<100000x128xf32, #tpu.memory_space<hbm>>
        tpu.enqueue_indirect_dma source(%dma_start3A_393 : memref<100000x128xf32, #tpu.memory_space<hbm>>) target(%dma_start3A_387 : memref<128x128xf32, #tpu.memory_space<vmem>>) offsets(%dma_start3A_390 : memref<128xi32, #tpu.memory_space<vmem>>) semaphore(%arg10 : memref<!tpu.dma_semaphore, #tpu.memory_space<semaphore_mem>>) {add = true}
      } else {
      }
      %gt3A_177 = arith.constant 0 : i32
      %gt3A_178 = arith.cmpi sgt, %scan3A_158, %gt3A_177 : i32
      %convert_element_type3A_179 = arith.extui %gt3A_178 : i1 to i32
      %cond3A_180 = arith.constant 0 : i32
      %cond3A_181 = arith.cmpi ne, %convert_element_type3A_179, %cond3A_180 : i32
      scf.if %cond3A_181 {
        %sub3A_368 = arith.constant 2 : i32
        %sub3A_369 = arith.subi %add3A_162, %sub3A_368 : i32
        %dma_wait3A_370 = arith.constant 2 : i32
        %dma_wait3A_371 = arith.constant 0 : i32
        %dma_wait3A_372 = arith.constant 0 : i32
        %dma_wait3A_373 = tpu.memref_slice %arg16[%dma_wait3A_370, %dma_wait3A_371, %dma_wait3A_372] : memref<4x128x128xf32, #tpu.memory_space<vmem>> -> memref<1x128x128xf32, #tpu.memory_space<vmem>>
        %dma_wait3A_374 = tpu.memref_squeeze %dma_wait3A_373 : memref<1x128x128xf32, #tpu.memory_space<vmem>> -> memref<128x128xf32, #tpu.memory_space<vmem>>
        %dma_wait3A_375 = arith.constant 0 : i32
        %dma_wait3A_376 = tpu.memref_slice %arg11[%sub3A_369, %dma_wait3A_375] : memref<200x128xi32, #tpu.memory_space<vmem>> -> memref<1x128xi32, #tpu.memory_space<vmem>>
        %dma_wait3A_377 = tpu.memref_squeeze %dma_wait3A_376 : memref<1x128xi32, #tpu.memory_space<vmem>> -> memref<128xi32, #tpu.memory_space<vmem>>
        %dma_wait3A_378 = arith.constant 0 : i32
        %dma_wait3A_379 = arith.constant 0 : i32
        %dma_wait3A_380 = tpu.memref_slice %arg4[%dma_wait3A_378, %dma_wait3A_379] : memref<100000x128xf32, #tpu.memory_space<hbm>> -> memref<100000x128xf32, #tpu.memory_space<hbm>>
        tpu.wait_indirect_dma semaphore(%arg9 : memref<!tpu.dma_semaphore, #tpu.memory_space<semaphore_mem>>) src(%dma_wait3A_380 : memref<100000x128xf32, #tpu.memory_space<hbm>>) dst(%dma_wait3A_374 : memref<128x128xf32, #tpu.memory_space<vmem>>)
        %sub3A_381 = arith.constant 2 : i32
        %sub3A_382 = arith.subi %add3A_162, %sub3A_381 : i32
        %add3A_383 = arith.addi %mul3A_2, %sub3A_382 : i32
        %mul3A_384 = arith.constant 128 : i32
        %mul3A_385 = arith.muli %add3A_383, %mul3A_384 : i32
        %dma_start3A_386 = arith.constant 2 : i32
        %dma_start3A_387 = arith.constant 0 : i32
        %dma_start3A_388 = arith.constant 0 : i32
        %dma_start3A_389 = tpu.memref_slice %arg16[%dma_start3A_386, %dma_start3A_387, %dma_start3A_388] : memref<4x128x128xf32, #tpu.memory_space<vmem>> -> memref<1x128x128xf32, #tpu.memory_space<vmem>>
        %dma_start3A_390 = tpu.memref_squeeze %dma_start3A_389 : memref<1x128x128xf32, #tpu.memory_space<vmem>> -> memref<128x128xf32, #tpu.memory_space<vmem>>
        %dma_start3A_391 = arith.constant 0 : i32
        %dma_start3A_392 = tpu.memref_slice %arg6[%mul3A_385, %dma_start3A_391] : memref<819200x128xf32, #tpu.memory_space<hbm>> -> memref<128x128xf32, #tpu.memory_space<hbm>>
        %dma_start3A_393 = arith.constant 0 : i32
        %dma_start3A_394 = tpu.memref_slice %arg6[%mul3A_385, %dma_start3A_393] : memref<819200x128xf32, #tpu.memory_space<hbm>> -> memref<128x128xf32, #tpu.memory_space<hbm>>
        %dma_start3A_395 = arith.constant 0 : i32
        %dma_start3A_396 = arith.constant 0 : i32
        %dma_start3A_397 = tpu.memref_slice %arg16[%dma_start3A_386, %dma_start3A_395, %dma_start3A_396] : memref<4x128x128xf32, #tpu.memory_space<vmem>> -> memref<1x128x128xf32, #tpu.memory_space<vmem>>
        %dma_start3A_398 = tpu.memref_squeeze %dma_start3A_397 : memref<1x128x128xf32, #tpu.memory_space<vmem>> -> memref<128x128xf32, #tpu.memory_space<vmem>>
        tpu.enqueue_dma source(%dma_start3A_398 : memref<128x128xf32, #tpu.memory_space<vmem>>) target(%dma_start3A_394 : memref<128x128xf32, #tpu.memory_space<hbm>>) target_semaphore(%arg19 : memref<!tpu.dma_semaphore, #tpu.memory_space<semaphore_mem>>)
      } else {
      }
      %mul3A_182 = arith.constant 4 : i32
      %mul3A_183 = arith.muli %scan3A_158, %mul3A_182 : i32
      %add3A_184 = arith.constant 1 : i32
      %add3A_185 = arith.addi %mul3A_183, %add3A_184 : i32
      %gt3A_186 = arith.constant 0 : i32
      %gt3A_187 = arith.cmpi sgt, %scan3A_158, %gt3A_186 : i32
      %convert_element_type3A_188 = arith.extui %gt3A_187 : i1 to i32
      %cond3A_189 = arith.constant 0 : i32
      %cond3A_190 = arith.cmpi ne, %convert_element_type3A_188, %cond3A_189 : i32
      scf.if %cond3A_190 {
        %sub3A_368 = arith.constant 4 : i32
        %sub3A_369 = arith.subi %add3A_185, %sub3A_368 : i32
        %add3A_370 = arith.addi %mul3A_2, %sub3A_369 : i32
        %mul3A_371 = arith.constant 128 : i32
        %mul3A_372 = arith.muli %add3A_370, %mul3A_371 : i32
        %dma_wait3A_373 = arith.constant 1 : i32
        %dma_wait3A_374 = arith.constant 0 : i32
        %dma_wait3A_375 = arith.constant 0 : i32
        %dma_wait3A_376 = tpu.memref_slice %arg16[%dma_wait3A_373, %dma_wait3A_374, %dma_wait3A_375] : memref<4x128x128xf32, #tpu.memory_space<vmem>> -> memref<1x128x128xf32, #tpu.memory_space<vmem>>
        %dma_wait3A_377 = tpu.memref_squeeze %dma_wait3A_376 : memref<1x128x128xf32, #tpu.memory_space<vmem>> -> memref<128x128xf32, #tpu.memory_space<vmem>>
        %dma_wait3A_378 = arith.constant 0 : i32
        %dma_wait3A_379 = tpu.memref_slice %arg6[%mul3A_372, %dma_wait3A_378] : memref<819200x128xf32, #tpu.memory_space<hbm>> -> memref<128x128xf32, #tpu.memory_space<hbm>>
        %dma_wait3A_380 = arith.constant 0 : i32
        %dma_wait3A_381 = tpu.memref_slice %arg6[%mul3A_372, %dma_wait3A_380] : memref<819200x128xf32, #tpu.memory_space<hbm>> -> memref<128x128xf32, #tpu.memory_space<hbm>>
        %dma_wait3A_382 = arith.constant 0 : i32
        %dma_wait3A_383 = arith.constant 0 : i32
        %dma_wait3A_384 = tpu.memref_slice %arg16[%dma_wait3A_373, %dma_wait3A_382, %dma_wait3A_383] : memref<4x128x128xf32, #tpu.memory_space<vmem>> -> memref<1x128x128xf32, #tpu.memory_space<vmem>>
        %dma_wait3A_385 = tpu.memref_squeeze %dma_wait3A_384 : memref<1x128x128xf32, #tpu.memory_space<vmem>> -> memref<128x128xf32, #tpu.memory_space<vmem>>
        tpu.wait_dma2 semaphore(%arg18 : memref<!tpu.dma_semaphore, #tpu.memory_space<semaphore_mem>>) src(%dma_wait3A_385 : memref<128x128xf32, #tpu.memory_space<vmem>>) dst(%dma_wait3A_381 : memref<128x128xf32, #tpu.memory_space<hbm>>)
        %dma_start3A_386 = arith.constant 1 : i32
        %dma_start3A_387 = arith.constant 0 : i32
        %dma_start3A_388 = arith.constant 0 : i32
        %dma_start3A_389 = tpu.memref_slice %arg16[%dma_start3A_386, %dma_start3A_387, %dma_start3A_388] : memref<4x128x128xf32, #tpu.memory_space<vmem>> -> memref<1x128x128xf32, #tpu.memory_space<vmem>>
        %dma_start3A_390 = tpu.memref_squeeze %dma_start3A_389 : memref<1x128x128xf32, #tpu.memory_space<vmem>> -> memref<128x128xf32, #tpu.memory_space<vmem>>
        %dma_start3A_391 = arith.constant 0 : i32
        %dma_start3A_392 = tpu.memref_slice %arg21[%add3A_185, %dma_start3A_391] : memref<200x128xi32, #tpu.memory_space<vmem>> -> memref<1x128xi32, #tpu.memory_space<vmem>>
        %dma_start3A_393 = tpu.memref_squeeze %dma_start3A_392 : memref<1x128xi32, #tpu.memory_space<vmem>> -> memref<128xi32, #tpu.memory_space<vmem>>
        %dma_start3A_394 = arith.constant 0 : i32
        %dma_start3A_395 = arith.constant 0 : i32
        %dma_start3A_396 = tpu.memref_slice %arg22[%dma_start3A_394, %dma_start3A_395] : memref<2x128xf32, #tpu.memory_space<vmem_shared>> -> memref<2x128xf32, #tpu.memory_space<vmem_shared>>
        tpu.enqueue_indirect_dma source(%dma_start3A_396 : memref<2x128xf32, #tpu.memory_space<vmem_shared>>) target(%dma_start3A_390 : memref<128x128xf32, #tpu.memory_space<vmem>>) offsets(%dma_start3A_393 : memref<128xi32, #tpu.memory_space<vmem>>) semaphore(%arg13 : memref<!tpu.dma_semaphore, #tpu.memory_space<semaphore_mem>>)
      } else {
      }
      %eq3A_191 = arith.constant 0 : i32
      %eq3A_192 = arith.cmpi eq, %scan3A_158, %eq3A_191 : i32
      %convert_element_type3A_193 = arith.extui %eq3A_192 : i1 to i32
      %cond3A_194 = arith.constant 0 : i32
      %cond3A_195 = arith.cmpi ne, %convert_element_type3A_193, %cond3A_194 : i32
      scf.if %cond3A_195 {
        %dma_start3A_368 = arith.constant 1 : i32
        %dma_start3A_369 = arith.constant 0 : i32
        %dma_start3A_370 = arith.constant 0 : i32
        %dma_start3A_371 = tpu.memref_slice %arg16[%dma_start3A_368, %dma_start3A_369, %dma_start3A_370] : memref<4x128x128xf32, #tpu.memory_space<vmem>> -> memref<1x128x128xf32, #tpu.memory_space<vmem>>
        %dma_start3A_372 = tpu.memref_squeeze %dma_start3A_371 : memref<1x128x128xf32, #tpu.memory_space<vmem>> -> memref<128x128xf32, #tpu.memory_space<vmem>>
        %dma_start3A_373 = arith.constant 0 : i32
        %dma_start3A_374 = tpu.memref_slice %arg21[%add3A_185, %dma_start3A_373] : memref<200x128xi32, #tpu.memory_space<vmem>> -> memref<1x128xi32, #tpu.memory_space<vmem>>
        %dma_start3A_375 = tpu.memref_squeeze %dma_start3A_374 : memref<1x128xi32, #tpu.memory_space<vmem>> -> memref<128xi32, #tpu.memory_space<vmem>>
        %dma_start3A_376 = arith.constant 0 : i32
        %dma_start3A_377 = arith.constant 0 : i32
        %dma_start3A_378 = tpu.memref_slice %arg22[%dma_start3A_376, %dma_start3A_377] : memref<2x128xf32, #tpu.memory_space<vmem_shared>> -> memref<2x128xf32, #tpu.memory_space<vmem_shared>>
        tpu.enqueue_indirect_dma source(%dma_start3A_378 : memref<2x128xf32, #tpu.memory_space<vmem_shared>>) target(%dma_start3A_372 : memref<128x128xf32, #tpu.memory_space<vmem>>) offsets(%dma_start3A_375 : memref<128xi32, #tpu.memory_space<vmem>>) semaphore(%arg13 : memref<!tpu.dma_semaphore, #tpu.memory_space<semaphore_mem>>)
      } else {
      }
      %sub3A = arith.constant 1 : i32
      %sub3A_196 = arith.subi %add3A_185, %sub3A : i32
      %dma_wait3A_197 = arith.constant 0 : i32
      %dma_wait3A_198 = arith.constant 0 : i32
      %dma_wait3A_199 = arith.constant 0 : i32
      %dma_wait3A_200 = tpu.memref_slice %arg16[%dma_wait3A_197, %dma_wait3A_198, %dma_wait3A_199] : memref<4x128x128xf32, #tpu.memory_space<vmem>> -> memref<1x128x128xf32, #tpu.memory_space<vmem>>
      %dma_wait3A_201 = tpu.memref_squeeze %dma_wait3A_200 : memref<1x128x128xf32, #tpu.memory_space<vmem>> -> memref<128x128xf32, #tpu.memory_space<vmem>>
      %dma_wait3A_202 = arith.constant 0 : i32
      %dma_wait3A_203 = tpu.memref_slice %arg21[%sub3A_196, %dma_wait3A_202] : memref<200x128xi32, #tpu.memory_space<vmem>> -> memref<1x128xi32, #tpu.memory_space<vmem>>
      %dma_wait3A_204 = tpu.memref_squeeze %dma_wait3A_203 : memref<1x128xi32, #tpu.memory_space<vmem>> -> memref<128xi32, #tpu.memory_space<vmem>>
      %dma_wait3A_205 = arith.constant 0 : i32
      %dma_wait3A_206 = arith.constant 0 : i32
      %dma_wait3A_207 = tpu.memref_slice %arg22[%dma_wait3A_205, %dma_wait3A_206] : memref<2x128xf32, #tpu.memory_space<vmem_shared>> -> memref<2x128xf32, #tpu.memory_space<vmem_shared>>
      tpu.wait_indirect_dma semaphore(%arg12 : memref<!tpu.dma_semaphore, #tpu.memory_space<semaphore_mem>>) src(%dma_wait3A_207 : memref<2x128xf32, #tpu.memory_space<vmem_shared>>) dst(%dma_wait3A_201 : memref<128x128xf32, #tpu.memory_space<vmem>>)
      %sub3A_208 = arith.constant 1 : i32
      %sub3A_209 = arith.subi %add3A_185, %sub3A_208 : i32
      %dma_start3A_210 = arith.constant 0 : i32
      %dma_start3A_211 = arith.constant 0 : i32
      %dma_start3A_212 = arith.constant 0 : i32
      %dma_start3A_213 = tpu.memref_slice %arg16[%dma_start3A_210, %dma_start3A_211, %dma_start3A_212] : memref<4x128x128xf32, #tpu.memory_space<vmem>> -> memref<1x128x128xf32, #tpu.memory_space<vmem>>
      %dma_start3A_214 = tpu.memref_squeeze %dma_start3A_213 : memref<1x128x128xf32, #tpu.memory_space<vmem>> -> memref<128x128xf32, #tpu.memory_space<vmem>>
      %dma_start3A_215 = arith.constant 0 : i32
      %dma_start3A_216 = tpu.memref_slice %arg11[%sub3A_209, %dma_start3A_215] : memref<200x128xi32, #tpu.memory_space<vmem>> -> memref<1x128xi32, #tpu.memory_space<vmem>>
      %dma_start3A_217 = tpu.memref_squeeze %dma_start3A_216 : memref<1x128xi32, #tpu.memory_space<vmem>> -> memref<128xi32, #tpu.memory_space<vmem>>
      %dma_start3A_218 = arith.constant 0 : i32
      %dma_start3A_219 = arith.constant 0 : i32
      %dma_start3A_220 = tpu.memref_slice %arg4[%dma_start3A_218, %dma_start3A_219] : memref<100000x128xf32, #tpu.memory_space<hbm>> -> memref<100000x128xf32, #tpu.memory_space<hbm>>
      tpu.enqueue_indirect_dma source(%dma_start3A_220 : memref<100000x128xf32, #tpu.memory_space<hbm>>) target(%dma_start3A_214 : memref<128x128xf32, #tpu.memory_space<vmem>>) offsets(%dma_start3A_217 : memref<128xi32, #tpu.memory_space<vmem>>) semaphore(%arg7 : memref<!tpu.dma_semaphore, #tpu.memory_space<semaphore_mem>>) {add = true}
      %gt3A_221 = arith.constant 0 : i32
      %gt3A_222 = arith.cmpi sgt, %scan3A_158, %gt3A_221 : i32
      %convert_element_type3A_223 = arith.extui %gt3A_222 : i1 to i32
      %cond3A_224 = arith.constant 0 : i32
      %cond3A_225 = arith.cmpi ne, %convert_element_type3A_223, %cond3A_224 : i32
      scf.if %cond3A_225 {
        %sub3A_368 = arith.constant 2 : i32
        %sub3A_369 = arith.subi %add3A_185, %sub3A_368 : i32
        %dma_wait3A_370 = arith.constant 3 : i32
        %dma_wait3A_371 = arith.constant 0 : i32
        %dma_wait3A_372 = arith.constant 0 : i32
        %dma_wait3A_373 = tpu.memref_slice %arg16[%dma_wait3A_370, %dma_wait3A_371, %dma_wait3A_372] : memref<4x128x128xf32, #tpu.memory_space<vmem>> -> memref<1x128x128xf32, #tpu.memory_space<vmem>>
        %dma_wait3A_374 = tpu.memref_squeeze %dma_wait3A_373 : memref<1x128x128xf32, #tpu.memory_space<vmem>> -> memref<128x128xf32, #tpu.memory_space<vmem>>
        %dma_wait3A_375 = arith.constant 0 : i32
        %dma_wait3A_376 = tpu.memref_slice %arg11[%sub3A_369, %dma_wait3A_375] : memref<200x128xi32, #tpu.memory_space<vmem>> -> memref<1x128xi32, #tpu.memory_space<vmem>>
        %dma_wait3A_377 = tpu.memref_squeeze %dma_wait3A_376 : memref<1x128xi32, #tpu.memory_space<vmem>> -> memref<128xi32, #tpu.memory_space<vmem>>
        %dma_wait3A_378 = arith.constant 0 : i32
        %dma_wait3A_379 = arith.constant 0 : i32
        %dma_wait3A_380 = tpu.memref_slice %arg4[%dma_wait3A_378, %dma_wait3A_379] : memref<100000x128xf32, #tpu.memory_space<hbm>> -> memref<100000x128xf32, #tpu.memory_space<hbm>>
        tpu.wait_indirect_dma semaphore(%arg10 : memref<!tpu.dma_semaphore, #tpu.memory_space<semaphore_mem>>) src(%dma_wait3A_380 : memref<100000x128xf32, #tpu.memory_space<hbm>>) dst(%dma_wait3A_374 : memref<128x128xf32, #tpu.memory_space<vmem>>)
        %sub3A_381 = arith.constant 2 : i32
        %sub3A_382 = arith.subi %add3A_185, %sub3A_381 : i32
        %add3A_383 = arith.addi %mul3A_2, %sub3A_382 : i32
        %mul3A_384 = arith.constant 128 : i32
        %mul3A_385 = arith.muli %add3A_383, %mul3A_384 : i32
        %dma_start3A_386 = arith.constant 3 : i32
        %dma_start3A_387 = arith.constant 0 : i32
        %dma_start3A_388 = arith.constant 0 : i32
        %dma_start3A_389 = tpu.memref_slice %arg16[%dma_start3A_386, %dma_start3A_387, %dma_start3A_388] : memref<4x128x128xf32, #tpu.memory_space<vmem>> -> memref<1x128x128xf32, #tpu.memory_space<vmem>>
        %dma_start3A_390 = tpu.memref_squeeze %dma_start3A_389 : memref<1x128x128xf32, #tpu.memory_space<vmem>> -> memref<128x128xf32, #tpu.memory_space<vmem>>
        %dma_start3A_391 = arith.constant 0 : i32
        %dma_start3A_392 = tpu.memref_slice %arg6[%mul3A_385, %dma_start3A_391] : memref<819200x128xf32, #tpu.memory_space<hbm>> -> memref<128x128xf32, #tpu.memory_space<hbm>>
        %dma_start3A_393 = arith.constant 0 : i32
        %dma_start3A_394 = tpu.memref_slice %arg6[%mul3A_385, %dma_start3A_393] : memref<819200x128xf32, #tpu.memory_space<hbm>> -> memref<128x128xf32, #tpu.memory_space<hbm>>
        %dma_start3A_395 = arith.constant 0 : i32
        %dma_start3A_396 = arith.constant 0 : i32
        %dma_start3A_397 = tpu.memref_slice %arg16[%dma_start3A_386, %dma_start3A_395, %dma_start3A_396] : memref<4x128x128xf32, #tpu.memory_space<vmem>> -> memref<1x128x128xf32, #tpu.memory_space<vmem>>
        %dma_start3A_398 = tpu.memref_squeeze %dma_start3A_397 : memref<1x128x128xf32, #tpu.memory_space<vmem>> -> memref<128x128xf32, #tpu.memory_space<vmem>>
        tpu.enqueue_dma source(%dma_start3A_398 : memref<128x128xf32, #tpu.memory_space<vmem>>) target(%dma_start3A_394 : memref<128x128xf32, #tpu.memory_space<hbm>>) target_semaphore(%arg20 : memref<!tpu.dma_semaphore, #tpu.memory_space<semaphore_mem>>)
      } else {
      }
      %mul3A_226 = arith.constant 4 : i32
      %mul3A_227 = arith.muli %scan3A_158, %mul3A_226 : i32
      %add3A_228 = arith.constant 2 : i32
      %add3A_229 = arith.addi %mul3A_227, %add3A_228 : i32
      %gt3A_230 = arith.constant 0 : i32
      %gt3A_231 = arith.cmpi sgt, %scan3A_158, %gt3A_230 : i32
      %convert_element_type3A_232 = arith.extui %gt3A_231 : i1 to i32
      %cond3A_233 = arith.constant 0 : i32
      %cond3A_234 = arith.cmpi ne, %convert_element_type3A_232, %cond3A_233 : i32
      scf.if %cond3A_234 {
        %sub3A_368 = arith.constant 4 : i32
        %sub3A_369 = arith.subi %add3A_229, %sub3A_368 : i32
        %add3A_370 = arith.addi %mul3A_2, %sub3A_369 : i32
        %mul3A_371 = arith.constant 128 : i32
        %mul3A_372 = arith.muli %add3A_370, %mul3A_371 : i32
        %dma_wait3A_373 = arith.constant 2 : i32
        %dma_wait3A_374 = arith.constant 0 : i32
        %dma_wait3A_375 = arith.constant 0 : i32
        %dma_wait3A_376 = tpu.memref_slice %arg16[%dma_wait3A_373, %dma_wait3A_374, %dma_wait3A_375] : memref<4x128x128xf32, #tpu.memory_space<vmem>> -> memref<1x128x128xf32, #tpu.memory_space<vmem>>
        %dma_wait3A_377 = tpu.memref_squeeze %dma_wait3A_376 : memref<1x128x128xf32, #tpu.memory_space<vmem>> -> memref<128x128xf32, #tpu.memory_space<vmem>>
        %dma_wait3A_378 = arith.constant 0 : i32
        %dma_wait3A_379 = tpu.memref_slice %arg6[%mul3A_372, %dma_wait3A_378] : memref<819200x128xf32, #tpu.memory_space<hbm>> -> memref<128x128xf32, #tpu.memory_space<hbm>>
        %dma_wait3A_380 = arith.constant 0 : i32
        %dma_wait3A_381 = tpu.memref_slice %arg6[%mul3A_372, %dma_wait3A_380] : memref<819200x128xf32, #tpu.memory_space<hbm>> -> memref<128x128xf32, #tpu.memory_space<hbm>>
        %dma_wait3A_382 = arith.constant 0 : i32
        %dma_wait3A_383 = arith.constant 0 : i32
        %dma_wait3A_384 = tpu.memref_slice %arg16[%dma_wait3A_373, %dma_wait3A_382, %dma_wait3A_383] : memref<4x128x128xf32, #tpu.memory_space<vmem>> -> memref<1x128x128xf32, #tpu.memory_space<vmem>>
        %dma_wait3A_385 = tpu.memref_squeeze %dma_wait3A_384 : memref<1x128x128xf32, #tpu.memory_space<vmem>> -> memref<128x128xf32, #tpu.memory_space<vmem>>
        tpu.wait_dma2 semaphore(%arg19 : memref<!tpu.dma_semaphore, #tpu.memory_space<semaphore_mem>>) src(%dma_wait3A_385 : memref<128x128xf32, #tpu.memory_space<vmem>>) dst(%dma_wait3A_381 : memref<128x128xf32, #tpu.memory_space<hbm>>)
        %dma_start3A_386 = arith.constant 2 : i32
        %dma_start3A_387 = arith.constant 0 : i32
        %dma_start3A_388 = arith.constant 0 : i32
        %dma_start3A_389 = tpu.memref_slice %arg16[%dma_start3A_386, %dma_start3A_387, %dma_start3A_388] : memref<4x128x128xf32, #tpu.memory_space<vmem>> -> memref<1x128x128xf32, #tpu.memory_space<vmem>>
        %dma_start3A_390 = tpu.memref_squeeze %dma_start3A_389 : memref<1x128x128xf32, #tpu.memory_space<vmem>> -> memref<128x128xf32, #tpu.memory_space<vmem>>
        %dma_start3A_391 = arith.constant 0 : i32
        %dma_start3A_392 = tpu.memref_slice %arg21[%add3A_229, %dma_start3A_391] : memref<200x128xi32, #tpu.memory_space<vmem>> -> memref<1x128xi32, #tpu.memory_space<vmem>>
        %dma_start3A_393 = tpu.memref_squeeze %dma_start3A_392 : memref<1x128xi32, #tpu.memory_space<vmem>> -> memref<128xi32, #tpu.memory_space<vmem>>
        %dma_start3A_394 = arith.constant 0 : i32
        %dma_start3A_395 = arith.constant 0 : i32
        %dma_start3A_396 = tpu.memref_slice %arg22[%dma_start3A_394, %dma_start3A_395] : memref<2x128xf32, #tpu.memory_space<vmem_shared>> -> memref<2x128xf32, #tpu.memory_space<vmem_shared>>
        tpu.enqueue_indirect_dma source(%dma_start3A_396 : memref<2x128xf32, #tpu.memory_space<vmem_shared>>) target(%dma_start3A_390 : memref<128x128xf32, #tpu.memory_space<vmem>>) offsets(%dma_start3A_393 : memref<128xi32, #tpu.memory_space<vmem>>) semaphore(%arg14 : memref<!tpu.dma_semaphore, #tpu.memory_space<semaphore_mem>>)
      } else {
      }
      %eq3A_235 = arith.constant 0 : i32
      %eq3A_236 = arith.cmpi eq, %scan3A_158, %eq3A_235 : i32
      %convert_element_type3A_237 = arith.extui %eq3A_236 : i1 to i32
      %cond3A_238 = arith.constant 0 : i32
      %cond3A_239 = arith.cmpi ne, %convert_element_type3A_237, %cond3A_238 : i32
      scf.if %cond3A_239 {
        %dma_start3A_368 = arith.constant 2 : i32
        %dma_start3A_369 = arith.constant 0 : i32
        %dma_start3A_370 = arith.constant 0 : i32
        %dma_start3A_371 = tpu.memref_slice %arg16[%dma_start3A_368, %dma_start3A_369, %dma_start3A_370] : memref<4x128x128xf32, #tpu.memory_space<vmem>> -> memref<1x128x128xf32, #tpu.memory_space<vmem>>
        %dma_start3A_372 = tpu.memref_squeeze %dma_start3A_371 : memref<1x128x128xf32, #tpu.memory_space<vmem>> -> memref<128x128xf32, #tpu.memory_space<vmem>>
        %dma_start3A_373 = arith.constant 0 : i32
        %dma_start3A_374 = tpu.memref_slice %arg21[%add3A_229, %dma_start3A_373] : memref<200x128xi32, #tpu.memory_space<vmem>> -> memref<1x128xi32, #tpu.memory_space<vmem>>
        %dma_start3A_375 = tpu.memref_squeeze %dma_start3A_374 : memref<1x128xi32, #tpu.memory_space<vmem>> -> memref<128xi32, #tpu.memory_space<vmem>>
        %dma_start3A_376 = arith.constant 0 : i32
        %dma_start3A_377 = arith.constant 0 : i32
        %dma_start3A_378 = tpu.memref_slice %arg22[%dma_start3A_376, %dma_start3A_377] : memref<2x128xf32, #tpu.memory_space<vmem_shared>> -> memref<2x128xf32, #tpu.memory_space<vmem_shared>>
        tpu.enqueue_indirect_dma source(%dma_start3A_378 : memref<2x128xf32, #tpu.memory_space<vmem_shared>>) target(%dma_start3A_372 : memref<128x128xf32, #tpu.memory_space<vmem>>) offsets(%dma_start3A_375 : memref<128xi32, #tpu.memory_space<vmem>>) semaphore(%arg14 : memref<!tpu.dma_semaphore, #tpu.memory_space<semaphore_mem>>)
      } else {
      }
      %sub3A_240 = arith.constant 1 : i32
      %sub3A_241 = arith.subi %add3A_229, %sub3A_240 : i32
      %dma_wait3A_242 = arith.constant 1 : i32
      %dma_wait3A_243 = arith.constant 0 : i32
      %dma_wait3A_244 = arith.constant 0 : i32
      %dma_wait3A_245 = tpu.memref_slice %arg16[%dma_wait3A_242, %dma_wait3A_243, %dma_wait3A_244] : memref<4x128x128xf32, #tpu.memory_space<vmem>> -> memref<1x128x128xf32, #tpu.memory_space<vmem>>
      %dma_wait3A_246 = tpu.memref_squeeze %dma_wait3A_245 : memref<1x128x128xf32, #tpu.memory_space<vmem>> -> memref<128x128xf32, #tpu.memory_space<vmem>>
      %dma_wait3A_247 = arith.constant 0 : i32
      %dma_wait3A_248 = tpu.memref_slice %arg21[%sub3A_241, %dma_wait3A_247] : memref<200x128xi32, #tpu.memory_space<vmem>> -> memref<1x128xi32, #tpu.memory_space<vmem>>
      %dma_wait3A_249 = tpu.memref_squeeze %dma_wait3A_248 : memref<1x128xi32, #tpu.memory_space<vmem>> -> memref<128xi32, #tpu.memory_space<vmem>>
      %dma_wait3A_250 = arith.constant 0 : i32
      %dma_wait3A_251 = arith.constant 0 : i32
      %dma_wait3A_252 = tpu.memref_slice %arg22[%dma_wait3A_250, %dma_wait3A_251] : memref<2x128xf32, #tpu.memory_space<vmem_shared>> -> memref<2x128xf32, #tpu.memory_space<vmem_shared>>
      tpu.wait_indirect_dma semaphore(%arg13 : memref<!tpu.dma_semaphore, #tpu.memory_space<semaphore_mem>>) src(%dma_wait3A_252 : memref<2x128xf32, #tpu.memory_space<vmem_shared>>) dst(%dma_wait3A_246 : memref<128x128xf32, #tpu.memory_space<vmem>>)
      %sub3A_253 = arith.constant 1 : i32
      %sub3A_254 = arith.subi %add3A_229, %sub3A_253 : i32
      %dma_start3A_255 = arith.constant 1 : i32
      %dma_start3A_256 = arith.constant 0 : i32
      %dma_start3A_257 = arith.constant 0 : i32
      %dma_start3A_258 = tpu.memref_slice %arg16[%dma_start3A_255, %dma_start3A_256, %dma_start3A_257] : memref<4x128x128xf32, #tpu.memory_space<vmem>> -> memref<1x128x128xf32, #tpu.memory_space<vmem>>
      %dma_start3A_259 = tpu.memref_squeeze %dma_start3A_258 : memref<1x128x128xf32, #tpu.memory_space<vmem>> -> memref<128x128xf32, #tpu.memory_space<vmem>>
      %dma_start3A_260 = arith.constant 0 : i32
      %dma_start3A_261 = tpu.memref_slice %arg11[%sub3A_254, %dma_start3A_260] : memref<200x128xi32, #tpu.memory_space<vmem>> -> memref<1x128xi32, #tpu.memory_space<vmem>>
      %dma_start3A_262 = tpu.memref_squeeze %dma_start3A_261 : memref<1x128xi32, #tpu.memory_space<vmem>> -> memref<128xi32, #tpu.memory_space<vmem>>
      %dma_start3A_263 = arith.constant 0 : i32
      %dma_start3A_264 = arith.constant 0 : i32
      %dma_start3A_265 = tpu.memref_slice %arg4[%dma_start3A_263, %dma_start3A_264] : memref<100000x128xf32, #tpu.memory_space<hbm>> -> memref<100000x128xf32, #tpu.memory_space<hbm>>
      tpu.enqueue_indirect_dma source(%dma_start3A_265 : memref<100000x128xf32, #tpu.memory_space<hbm>>) target(%dma_start3A_259 : memref<128x128xf32, #tpu.memory_space<vmem>>) offsets(%dma_start3A_262 : memref<128xi32, #tpu.memory_space<vmem>>) semaphore(%arg8 : memref<!tpu.dma_semaphore, #tpu.memory_space<semaphore_mem>>) {add = true}
      %sub3A_266 = arith.constant 2 : i32
      %sub3A_267 = arith.subi %add3A_229, %sub3A_266 : i32
      %dma_wait3A_268 = arith.constant 0 : i32
      %dma_wait3A_269 = arith.constant 0 : i32
      %dma_wait3A_270 = arith.constant 0 : i32
      %dma_wait3A_271 = tpu.memref_slice %arg16[%dma_wait3A_268, %dma_wait3A_269, %dma_wait3A_270] : memref<4x128x128xf32, #tpu.memory_space<vmem>> -> memref<1x128x128xf32, #tpu.memory_space<vmem>>
      %dma_wait3A_272 = tpu.memref_squeeze %dma_wait3A_271 : memref<1x128x128xf32, #tpu.memory_space<vmem>> -> memref<128x128xf32, #tpu.memory_space<vmem>>
      %dma_wait3A_273 = arith.constant 0 : i32
      %dma_wait3A_274 = tpu.memref_slice %arg11[%sub3A_267, %dma_wait3A_273] : memref<200x128xi32, #tpu.memory_space<vmem>> -> memref<1x128xi32, #tpu.memory_space<vmem>>
      %dma_wait3A_275 = tpu.memref_squeeze %dma_wait3A_274 : memref<1x128xi32, #tpu.memory_space<vmem>> -> memref<128xi32, #tpu.memory_space<vmem>>
      %dma_wait3A_276 = arith.constant 0 : i32
      %dma_wait3A_277 = arith.constant 0 : i32
      %dma_wait3A_278 = tpu.memref_slice %arg4[%dma_wait3A_276, %dma_wait3A_277] : memref<100000x128xf32, #tpu.memory_space<hbm>> -> memref<100000x128xf32, #tpu.memory_space<hbm>>
      tpu.wait_indirect_dma semaphore(%arg7 : memref<!tpu.dma_semaphore, #tpu.memory_space<semaphore_mem>>) src(%dma_wait3A_278 : memref<100000x128xf32, #tpu.memory_space<hbm>>) dst(%dma_wait3A_272 : memref<128x128xf32, #tpu.memory_space<vmem>>)
      %sub3A_279 = arith.constant 2 : i32
      %sub3A_280 = arith.subi %add3A_229, %sub3A_279 : i32
      %add3A_281 = arith.addi %mul3A_2, %sub3A_280 : i32
      %mul3A_282 = arith.constant 128 : i32
      %mul3A_283 = arith.muli %add3A_281, %mul3A_282 : i32
      %dma_start3A_284 = arith.constant 0 : i32
      %dma_start3A_285 = arith.constant 0 : i32
      %dma_start3A_286 = arith.constant 0 : i32
      %dma_start3A_287 = tpu.memref_slice %arg16[%dma_start3A_284, %dma_start3A_285, %dma_start3A_286] : memref<4x128x128xf32, #tpu.memory_space<vmem>> -> memref<1x128x128xf32, #tpu.memory_space<vmem>>
      %dma_start3A_288 = tpu.memref_squeeze %dma_start3A_287 : memref<1x128x128xf32, #tpu.memory_space<vmem>> -> memref<128x128xf32, #tpu.memory_space<vmem>>
      %dma_start3A_289 = arith.constant 0 : i32
      %dma_start3A_290 = tpu.memref_slice %arg6[%mul3A_283, %dma_start3A_289] : memref<819200x128xf32, #tpu.memory_space<hbm>> -> memref<128x128xf32, #tpu.memory_space<hbm>>
      %dma_start3A_291 = arith.constant 0 : i32
      %dma_start3A_292 = tpu.memref_slice %arg6[%mul3A_283, %dma_start3A_291] : memref<819200x128xf32, #tpu.memory_space<hbm>> -> memref<128x128xf32, #tpu.memory_space<hbm>>
      %dma_start3A_293 = arith.constant 0 : i32
      %dma_start3A_294 = arith.constant 0 : i32
      %dma_start3A_295 = tpu.memref_slice %arg16[%dma_start3A_284, %dma_start3A_293, %dma_start3A_294] : memref<4x128x128xf32, #tpu.memory_space<vmem>> -> memref<1x128x128xf32, #tpu.memory_space<vmem>>
      %dma_start3A_296 = tpu.memref_squeeze %dma_start3A_295 : memref<1x128x128xf32, #tpu.memory_space<vmem>> -> memref<128x128xf32, #tpu.memory_space<vmem>>
      tpu.enqueue_dma source(%dma_start3A_296 : memref<128x128xf32, #tpu.memory_space<vmem>>) target(%dma_start3A_292 : memref<128x128xf32, #tpu.memory_space<hbm>>) target_semaphore(%arg17 : memref<!tpu.dma_semaphore, #tpu.memory_space<semaphore_mem>>)
      %mul3A_297 = arith.constant 4 : i32
      %mul3A_298 = arith.muli %scan3A_158, %mul3A_297 : i32
      %add3A_299 = arith.constant 3 : i32
      %add3A_300 = arith.addi %mul3A_298, %add3A_299 : i32
      %gt3A_301 = arith.constant 0 : i32
      %gt3A_302 = arith.cmpi sgt, %scan3A_158, %gt3A_301 : i32
      %convert_element_type3A_303 = arith.extui %gt3A_302 : i1 to i32
      %cond3A_304 = arith.constant 0 : i32
      %cond3A_305 = arith.cmpi ne, %convert_element_type3A_303, %cond3A_304 : i32
      scf.if %cond3A_305 {
        %sub3A_368 = arith.constant 4 : i32
        %sub3A_369 = arith.subi %add3A_300, %sub3A_368 : i32
        %add3A_370 = arith.addi %mul3A_2, %sub3A_369 : i32
        %mul3A_371 = arith.constant 128 : i32
        %mul3A_372 = arith.muli %add3A_370, %mul3A_371 : i32
        %dma_wait3A_373 = arith.constant 3 : i32
        %dma_wait3A_374 = arith.constant 0 : i32
        %dma_wait3A_375 = arith.constant 0 : i32
        %dma_wait3A_376 = tpu.memref_slice %arg16[%dma_wait3A_373, %dma_wait3A_374, %dma_wait3A_375] : memref<4x128x128xf32, #tpu.memory_space<vmem>> -> memref<1x128x128xf32, #tpu.memory_space<vmem>>
        %dma_wait3A_377 = tpu.memref_squeeze %dma_wait3A_376 : memref<1x128x128xf32, #tpu.memory_space<vmem>> -> memref<128x128xf32, #tpu.memory_space<vmem>>
        %dma_wait3A_378 = arith.constant 0 : i32
        %dma_wait3A_379 = tpu.memref_slice %arg6[%mul3A_372, %dma_wait3A_378] : memref<819200x128xf32, #tpu.memory_space<hbm>> -> memref<128x128xf32, #tpu.memory_space<hbm>>
        %dma_wait3A_380 = arith.constant 0 : i32
        %dma_wait3A_381 = tpu.memref_slice %arg6[%mul3A_372, %dma_wait3A_380] : memref<819200x128xf32, #tpu.memory_space<hbm>> -> memref<128x128xf32, #tpu.memory_space<hbm>>
        %dma_wait3A_382 = arith.constant 0 : i32
        %dma_wait3A_383 = arith.constant 0 : i32
        %dma_wait3A_384 = tpu.memref_slice %arg16[%dma_wait3A_373, %dma_wait3A_382, %dma_wait3A_383] : memref<4x128x128xf32, #tpu.memory_space<vmem>> -> memref<1x128x128xf32, #tpu.memory_space<vmem>>
        %dma_wait3A_385 = tpu.memref_squeeze %dma_wait3A_384 : memref<1x128x128xf32, #tpu.memory_space<vmem>> -> memref<128x128xf32, #tpu.memory_space<vmem>>
        tpu.wait_dma2 semaphore(%arg20 : memref<!tpu.dma_semaphore, #tpu.memory_space<semaphore_mem>>) src(%dma_wait3A_385 : memref<128x128xf32, #tpu.memory_space<vmem>>) dst(%dma_wait3A_381 : memref<128x128xf32, #tpu.memory_space<hbm>>)
        %dma_start3A_386 = arith.constant 3 : i32
        %dma_start3A_387 = arith.constant 0 : i32
        %dma_start3A_388 = arith.constant 0 : i32
        %dma_start3A_389 = tpu.memref_slice %arg16[%dma_start3A_386, %dma_start3A_387, %dma_start3A_388] : memref<4x128x128xf32, #tpu.memory_space<vmem>> -> memref<1x128x128xf32, #tpu.memory_space<vmem>>
        %dma_start3A_390 = tpu.memref_squeeze %dma_start3A_389 : memref<1x128x128xf32, #tpu.memory_space<vmem>> -> memref<128x128xf32, #tpu.memory_space<vmem>>
        %dma_start3A_391 = arith.constant 0 : i32
        %dma_start3A_392 = tpu.memref_slice %arg21[%add3A_300, %dma_start3A_391] : memref<200x128xi32, #tpu.memory_space<vmem>> -> memref<1x128xi32, #tpu.memory_space<vmem>>
        %dma_start3A_393 = tpu.memref_squeeze %dma_start3A_392 : memref<1x128xi32, #tpu.memory_space<vmem>> -> memref<128xi32, #tpu.memory_space<vmem>>
        %dma_start3A_394 = arith.constant 0 : i32
        %dma_start3A_395 = arith.constant 0 : i32
        %dma_start3A_396 = tpu.memref_slice %arg22[%dma_start3A_394, %dma_start3A_395] : memref<2x128xf32, #tpu.memory_space<vmem_shared>> -> memref<2x128xf32, #tpu.memory_space<vmem_shared>>
        tpu.enqueue_indirect_dma source(%dma_start3A_396 : memref<2x128xf32, #tpu.memory_space<vmem_shared>>) target(%dma_start3A_390 : memref<128x128xf32, #tpu.memory_space<vmem>>) offsets(%dma_start3A_393 : memref<128xi32, #tpu.memory_space<vmem>>) semaphore(%arg15 : memref<!tpu.dma_semaphore, #tpu.memory_space<semaphore_mem>>)
      } else {
      }
      %eq3A_306 = arith.constant 0 : i32
      %eq3A_307 = arith.cmpi eq, %scan3A_158, %eq3A_306 : i32
      %convert_element_type3A_308 = arith.extui %eq3A_307 : i1 to i32
      %cond3A_309 = arith.constant 0 : i32
      %cond3A_310 = arith.cmpi ne, %convert_element_type3A_308, %cond3A_309 : i32
      scf.if %cond3A_310 {
        %dma_start3A_368 = arith.constant 3 : i32
        %dma_start3A_369 = arith.constant 0 : i32
        %dma_start3A_370 = arith.constant 0 : i32
        %dma_start3A_371 = tpu.memref_slice %arg16[%dma_start3A_368, %dma_start3A_369, %dma_start3A_370] : memref<4x128x128xf32, #tpu.memory_space<vmem>> -> memref<1x128x128xf32, #tpu.memory_space<vmem>>
        %dma_start3A_372 = tpu.memref_squeeze %dma_start3A_371 : memref<1x128x128xf32, #tpu.memory_space<vmem>> -> memref<128x128xf32, #tpu.memory_space<vmem>>
        %dma_start3A_373 = arith.constant 0 : i32
        %dma_start3A_374 = tpu.memref_slice %arg21[%add3A_300, %dma_start3A_373] : memref<200x128xi32, #tpu.memory_space<vmem>> -> memref<1x128xi32, #tpu.memory_space<vmem>>
        %dma_start3A_375 = tpu.memref_squeeze %dma_start3A_374 : memref<1x128xi32, #tpu.memory_space<vmem>> -> memref<128xi32, #tpu.memory_space<vmem>>
        %dma_start3A_376 = arith.constant 0 : i32
        %dma_start3A_377 = arith.constant 0 : i32
        %dma_start3A_378 = tpu.memref_slice %arg22[%dma_start3A_376, %dma_start3A_377] : memref<2x128xf32, #tpu.memory_space<vmem_shared>> -> memref<2x128xf32, #tpu.memory_space<vmem_shared>>
        tpu.enqueue_indirect_dma source(%dma_start3A_378 : memref<2x128xf32, #tpu.memory_space<vmem_shared>>) target(%dma_start3A_372 : memref<128x128xf32, #tpu.memory_space<vmem>>) offsets(%dma_start3A_375 : memref<128xi32, #tpu.memory_space<vmem>>) semaphore(%arg15 : memref<!tpu.dma_semaphore, #tpu.memory_space<semaphore_mem>>)
      } else {
      }
      %sub3A_311 = arith.constant 1 : i32
      %sub3A_312 = arith.subi %add3A_300, %sub3A_311 : i32
      %dma_wait3A_313 = arith.constant 2 : i32
      %dma_wait3A_314 = arith.constant 0 : i32
      %dma_wait3A_315 = arith.constant 0 : i32
      %dma_wait3A_316 = tpu.memref_slice %arg16[%dma_wait3A_313, %dma_wait3A_314, %dma_wait3A_315] : memref<4x128x128xf32, #tpu.memory_space<vmem>> -> memref<1x128x128xf32, #tpu.memory_space<vmem>>
      %dma_wait3A_317 = tpu.memref_squeeze %dma_wait3A_316 : memref<1x128x128xf32, #tpu.memory_space<vmem>> -> memref<128x128xf32, #tpu.memory_space<vmem>>
      %dma_wait3A_318 = arith.constant 0 : i32
      %dma_wait3A_319 = tpu.memref_slice %arg21[%sub3A_312, %dma_wait3A_318] : memref<200x128xi32, #tpu.memory_space<vmem>> -> memref<1x128xi32, #tpu.memory_space<vmem>>
      %dma_wait3A_320 = tpu.memref_squeeze %dma_wait3A_319 : memref<1x128xi32, #tpu.memory_space<vmem>> -> memref<128xi32, #tpu.memory_space<vmem>>
      %dma_wait3A_321 = arith.constant 0 : i32
      %dma_wait3A_322 = arith.constant 0 : i32
      %dma_wait3A_323 = tpu.memref_slice %arg22[%dma_wait3A_321, %dma_wait3A_322] : memref<2x128xf32, #tpu.memory_space<vmem_shared>> -> memref<2x128xf32, #tpu.memory_space<vmem_shared>>
      tpu.wait_indirect_dma semaphore(%arg14 : memref<!tpu.dma_semaphore, #tpu.memory_space<semaphore_mem>>) src(%dma_wait3A_323 : memref<2x128xf32, #tpu.memory_space<vmem_shared>>) dst(%dma_wait3A_317 : memref<128x128xf32, #tpu.memory_space<vmem>>)
      %sub3A_324 = arith.constant 1 : i32
      %sub3A_325 = arith.subi %add3A_300, %sub3A_324 : i32
      %dma_start3A_326 = arith.constant 2 : i32
      %dma_start3A_327 = arith.constant 0 : i32
      %dma_start3A_328 = arith.constant 0 : i32
      %dma_start3A_329 = tpu.memref_slice %arg16[%dma_start3A_326, %dma_start3A_327, %dma_start3A_328] : memref<4x128x128xf32, #tpu.memory_space<vmem>> -> memref<1x128x128xf32, #tpu.memory_space<vmem>>
      %dma_start3A_330 = tpu.memref_squeeze %dma_start3A_329 : memref<1x128x128xf32, #tpu.memory_space<vmem>> -> memref<128x128xf32, #tpu.memory_space<vmem>>
      %dma_start3A_331 = arith.constant 0 : i32
      %dma_start3A_332 = tpu.memref_slice %arg11[%sub3A_325, %dma_start3A_331] : memref<200x128xi32, #tpu.memory_space<vmem>> -> memref<1x128xi32, #tpu.memory_space<vmem>>
      %dma_start3A_333 = tpu.memref_squeeze %dma_start3A_332 : memref<1x128xi32, #tpu.memory_space<vmem>> -> memref<128xi32, #tpu.memory_space<vmem>>
      %dma_start3A_334 = arith.constant 0 : i32
      %dma_start3A_335 = arith.constant 0 : i32
      %dma_start3A_336 = tpu.memref_slice %arg4[%dma_start3A_334, %dma_start3A_335] : memref<100000x128xf32, #tpu.memory_space<hbm>> -> memref<100000x128xf32, #tpu.memory_space<hbm>>
      tpu.enqueue_indirect_dma source(%dma_start3A_336 : memref<100000x128xf32, #tpu.memory_space<hbm>>) target(%dma_start3A_330 : memref<128x128xf32, #tpu.memory_space<vmem>>) offsets(%dma_start3A_333 : memref<128xi32, #tpu.memory_space<vmem>>) semaphore(%arg9 : memref<!tpu.dma_semaphore, #tpu.memory_space<semaphore_mem>>) {add = true}
      %sub3A_337 = arith.constant 2 : i32
      %sub3A_338 = arith.subi %add3A_300, %sub3A_337 : i32
      %dma_wait3A_339 = arith.constant 1 : i32
      %dma_wait3A_340 = arith.constant 0 : i32
      %dma_wait3A_341 = arith.constant 0 : i32
      %dma_wait3A_342 = tpu.memref_slice %arg16[%dma_wait3A_339, %dma_wait3A_340, %dma_wait3A_341] : memref<4x128x128xf32, #tpu.memory_space<vmem>> -> memref<1x128x128xf32, #tpu.memory_space<vmem>>
      %dma_wait3A_343 = tpu.memref_squeeze %dma_wait3A_342 : memref<1x128x128xf32, #tpu.memory_space<vmem>> -> memref<128x128xf32, #tpu.memory_space<vmem>>
      %dma_wait3A_344 = arith.constant 0 : i32
      %dma_wait3A_345 = tpu.memref_slice %arg11[%sub3A_338, %dma_wait3A_344] : memref<200x128xi32, #tpu.memory_space<vmem>> -> memref<1x128xi32, #tpu.memory_space<vmem>>
      %dma_wait3A_346 = tpu.memref_squeeze %dma_wait3A_345 : memref<1x128xi32, #tpu.memory_space<vmem>> -> memref<128xi32, #tpu.memory_space<vmem>>
      %dma_wait3A_347 = arith.constant 0 : i32
      %dma_wait3A_348 = arith.constant 0 : i32
      %dma_wait3A_349 = tpu.memref_slice %arg4[%dma_wait3A_347, %dma_wait3A_348] : memref<100000x128xf32, #tpu.memory_space<hbm>> -> memref<100000x128xf32, #tpu.memory_space<hbm>>
      tpu.wait_indirect_dma semaphore(%arg8 : memref<!tpu.dma_semaphore, #tpu.memory_space<semaphore_mem>>) src(%dma_wait3A_349 : memref<100000x128xf32, #tpu.memory_space<hbm>>) dst(%dma_wait3A_343 : memref<128x128xf32, #tpu.memory_space<vmem>>)
      %sub3A_350 = arith.constant 2 : i32
      %sub3A_351 = arith.subi %add3A_300, %sub3A_350 : i32
      %add3A_352 = arith.addi %mul3A_2, %sub3A_351 : i32
      %mul3A_353 = arith.constant 128 : i32
      %mul3A_354 = arith.muli %add3A_352, %mul3A_353 : i32
      %dma_start3A_355 = arith.constant 1 : i32
      %dma_start3A_356 = arith.constant 0 : i32
      %dma_start3A_357 = arith.constant 0 : i32
      %dma_start3A_358 = tpu.memref_slice %arg16[%dma_start3A_355, %dma_start3A_356, %dma_start3A_357] : memref<4x128x128xf32, #tpu.memory_space<vmem>> -> memref<1x128x128xf32, #tpu.memory_space<vmem>>
      %dma_start3A_359 = tpu.memref_squeeze %dma_start3A_358 : memref<1x128x128xf32, #tpu.memory_space<vmem>> -> memref<128x128xf32, #tpu.memory_space<vmem>>
      %dma_start3A_360 = arith.constant 0 : i32
      %dma_start3A_361 = tpu.memref_slice %arg6[%mul3A_354, %dma_start3A_360] : memref<819200x128xf32, #tpu.memory_space<hbm>> -> memref<128x128xf32, #tpu.memory_space<hbm>>
      %dma_start3A_362 = arith.constant 0 : i32
      %dma_start3A_363 = tpu.memref_slice %arg6[%mul3A_354, %dma_start3A_362] : memref<819200x128xf32, #tpu.memory_space<hbm>> -> memref<128x128xf32, #tpu.memory_space<hbm>>
      %dma_start3A_364 = arith.constant 0 : i32
      %dma_start3A_365 = arith.constant 0 : i32
      %dma_start3A_366 = tpu.memref_slice %arg16[%dma_start3A_355, %dma_start3A_364, %dma_start3A_365] : memref<4x128x128xf32, #tpu.memory_space<vmem>> -> memref<1x128x128xf32, #tpu.memory_space<vmem>>
      %dma_start3A_367 = tpu.memref_squeeze %dma_start3A_366 : memref<1x128x128xf32, #tpu.memory_space<vmem>> -> memref<128x128xf32, #tpu.memory_space<vmem>>
      tpu.enqueue_dma source(%dma_start3A_367 : memref<128x128xf32, #tpu.memory_space<vmem>>) target(%dma_start3A_363 : memref<128x128xf32, #tpu.memory_space<hbm>>) target_semaphore(%arg18 : memref<!tpu.dma_semaphore, #tpu.memory_space<semaphore_mem>>)
    }
    %scan3A_9 = arith.constant 50 : i32
    %dma_wait3A = arith.constant 199 : i32
    %dma_wait3A_10 = arith.constant 3 : i32
    %dma_wait3A_11 = arith.constant 0 : i32
    %dma_wait3A_12 = arith.constant 0 : i32
    %dma_wait3A_13 = tpu.memref_slice %arg16[%dma_wait3A_10, %dma_wait3A_11, %dma_wait3A_12] : memref<4x128x128xf32, #tpu.memory_space<vmem>> -> memref<1x128x128xf32, #tpu.memory_space<vmem>>
    %dma_wait3A_14 = tpu.memref_squeeze %dma_wait3A_13 : memref<1x128x128xf32, #tpu.memory_space<vmem>> -> memref<128x128xf32, #tpu.memory_space<vmem>>
    %dma_wait3A_15 = arith.constant 0 : i32
    %dma_wait3A_16 = tpu.memref_slice %arg21[%dma_wait3A, %dma_wait3A_15] : memref<200x128xi32, #tpu.memory_space<vmem>> -> memref<1x128xi32, #tpu.memory_space<vmem>>
    %dma_wait3A_17 = tpu.memref_squeeze %dma_wait3A_16 : memref<1x128xi32, #tpu.memory_space<vmem>> -> memref<128xi32, #tpu.memory_space<vmem>>
    %dma_wait3A_18 = arith.constant 0 : i32
    %dma_wait3A_19 = arith.constant 0 : i32
    %dma_wait3A_20 = tpu.memref_slice %arg22[%dma_wait3A_18, %dma_wait3A_19] : memref<2x128xf32, #tpu.memory_space<vmem_shared>> -> memref<2x128xf32, #tpu.memory_space<vmem_shared>>
    tpu.wait_indirect_dma semaphore(%arg15 : memref<!tpu.dma_semaphore, #tpu.memory_space<semaphore_mem>>) src(%dma_wait3A_20 : memref<2x128xf32, #tpu.memory_space<vmem_shared>>) dst(%dma_wait3A_14 : memref<128x128xf32, #tpu.memory_space<vmem>>)
    %dma_start3A = arith.constant 199 : i32
    %dma_start3A_21 = arith.constant 3 : i32
    %dma_start3A_22 = arith.constant 0 : i32
    %dma_start3A_23 = arith.constant 0 : i32
    %dma_start3A_24 = tpu.memref_slice %arg16[%dma_start3A_21, %dma_start3A_22, %dma_start3A_23] : memref<4x128x128xf32, #tpu.memory_space<vmem>> -> memref<1x128x128xf32, #tpu.memory_space<vmem>>
    %dma_start3A_25 = tpu.memref_squeeze %dma_start3A_24 : memref<1x128x128xf32, #tpu.memory_space<vmem>> -> memref<128x128xf32, #tpu.memory_space<vmem>>
    %dma_start3A_26 = arith.constant 0 : i32
    %dma_start3A_27 = tpu.memref_slice %arg11[%dma_start3A, %dma_start3A_26] : memref<200x128xi32, #tpu.memory_space<vmem>> -> memref<1x128xi32, #tpu.memory_space<vmem>>
    %dma_start3A_28 = tpu.memref_squeeze %dma_start3A_27 : memref<1x128xi32, #tpu.memory_space<vmem>> -> memref<128xi32, #tpu.memory_space<vmem>>
    %dma_start3A_29 = arith.constant 0 : i32
    %dma_start3A_30 = arith.constant 0 : i32
    %dma_start3A_31 = tpu.memref_slice %arg4[%dma_start3A_29, %dma_start3A_30] : memref<100000x128xf32, #tpu.memory_space<hbm>> -> memref<100000x128xf32, #tpu.memory_space<hbm>>
    tpu.enqueue_indirect_dma source(%dma_start3A_31 : memref<100000x128xf32, #tpu.memory_space<hbm>>) target(%dma_start3A_25 : memref<128x128xf32, #tpu.memory_space<vmem>>) offsets(%dma_start3A_28 : memref<128xi32, #tpu.memory_space<vmem>>) semaphore(%arg10 : memref<!tpu.dma_semaphore, #tpu.memory_space<semaphore_mem>>) {add = true}
    %dma_wait3A_32 = arith.constant 198 : i32
    %dma_wait3A_33 = arith.constant 2 : i32
    %dma_wait3A_34 = arith.constant 0 : i32
    %dma_wait3A_35 = arith.constant 0 : i32
    %dma_wait3A_36 = tpu.memref_slice %arg16[%dma_wait3A_33, %dma_wait3A_34, %dma_wait3A_35] : memref<4x128x128xf32, #tpu.memory_space<vmem>> -> memref<1x128x128xf32, #tpu.memory_space<vmem>>
    %dma_wait3A_37 = tpu.memref_squeeze %dma_wait3A_36 : memref<1x128x128xf32, #tpu.memory_space<vmem>> -> memref<128x128xf32, #tpu.memory_space<vmem>>
    %dma_wait3A_38 = arith.constant 0 : i32
    %dma_wait3A_39 = tpu.memref_slice %arg11[%dma_wait3A_32, %dma_wait3A_38] : memref<200x128xi32, #tpu.memory_space<vmem>> -> memref<1x128xi32, #tpu.memory_space<vmem>>
    %dma_wait3A_40 = tpu.memref_squeeze %dma_wait3A_39 : memref<1x128xi32, #tpu.memory_space<vmem>> -> memref<128xi32, #tpu.memory_space<vmem>>
    %dma_wait3A_41 = arith.constant 0 : i32
    %dma_wait3A_42 = arith.constant 0 : i32
    %dma_wait3A_43 = tpu.memref_slice %arg4[%dma_wait3A_41, %dma_wait3A_42] : memref<100000x128xf32, #tpu.memory_space<hbm>> -> memref<100000x128xf32, #tpu.memory_space<hbm>>
    tpu.wait_indirect_dma semaphore(%arg9 : memref<!tpu.dma_semaphore, #tpu.memory_space<semaphore_mem>>) src(%dma_wait3A_43 : memref<100000x128xf32, #tpu.memory_space<hbm>>) dst(%dma_wait3A_37 : memref<128x128xf32, #tpu.memory_space<vmem>>)
    %add3A_44 = arith.constant 198 : i32
    %add3A_45 = arith.addi %mul3A_2, %add3A_44 : i32
    %mul3A_46 = arith.constant 128 : i32
    %mul3A_47 = arith.muli %add3A_45, %mul3A_46 : i32
    %dma_start3A_48 = arith.constant 2 : i32
    %dma_start3A_49 = arith.constant 0 : i32
    %dma_start3A_50 = arith.constant 0 : i32
    %dma_start3A_51 = tpu.memref_slice %arg16[%dma_start3A_48, %dma_start3A_49, %dma_start3A_50] : memref<4x128x128xf32, #tpu.memory_space<vmem>> -> memref<1x128x128xf32, #tpu.memory_space<vmem>>
    %dma_start3A_52 = tpu.memref_squeeze %dma_start3A_51 : memref<1x128x128xf32, #tpu.memory_space<vmem>> -> memref<128x128xf32, #tpu.memory_space<vmem>>
    %dma_start3A_53 = arith.constant 0 : i32
    %dma_start3A_54 = tpu.memref_slice %arg6[%mul3A_47, %dma_start3A_53] : memref<819200x128xf32, #tpu.memory_space<hbm>> -> memref<128x128xf32, #tpu.memory_space<hbm>>
    %dma_start3A_55 = arith.constant 0 : i32
    %dma_start3A_56 = tpu.memref_slice %arg6[%mul3A_47, %dma_start3A_55] : memref<819200x128xf32, #tpu.memory_space<hbm>> -> memref<128x128xf32, #tpu.memory_space<hbm>>
    %dma_start3A_57 = arith.constant 0 : i32
    %dma_start3A_58 = arith.constant 0 : i32
    %dma_start3A_59 = tpu.memref_slice %arg16[%dma_start3A_48, %dma_start3A_57, %dma_start3A_58] : memref<4x128x128xf32, #tpu.memory_space<vmem>> -> memref<1x128x128xf32, #tpu.memory_space<vmem>>
    %dma_start3A_60 = tpu.memref_squeeze %dma_start3A_59 : memref<1x128x128xf32, #tpu.memory_space<vmem>> -> memref<128x128xf32, #tpu.memory_space<vmem>>
    tpu.enqueue_dma source(%dma_start3A_60 : memref<128x128xf32, #tpu.memory_space<vmem>>) target(%dma_start3A_56 : memref<128x128xf32, #tpu.memory_space<hbm>>) target_semaphore(%arg19 : memref<!tpu.dma_semaphore, #tpu.memory_space<semaphore_mem>>)
    %dma_wait3A_61 = arith.constant 199 : i32
    %dma_wait3A_62 = arith.constant 3 : i32
    %dma_wait3A_63 = arith.constant 0 : i32
    %dma_wait3A_64 = arith.constant 0 : i32
    %dma_wait3A_65 = tpu.memref_slice %arg16[%dma_wait3A_62, %dma_wait3A_63, %dma_wait3A_64] : memref<4x128x128xf32, #tpu.memory_space<vmem>> -> memref<1x128x128xf32, #tpu.memory_space<vmem>>
    %dma_wait3A_66 = tpu.memref_squeeze %dma_wait3A_65 : memref<1x128x128xf32, #tpu.memory_space<vmem>> -> memref<128x128xf32, #tpu.memory_space<vmem>>
    %dma_wait3A_67 = arith.constant 0 : i32
    %dma_wait3A_68 = tpu.memref_slice %arg11[%dma_wait3A_61, %dma_wait3A_67] : memref<200x128xi32, #tpu.memory_space<vmem>> -> memref<1x128xi32, #tpu.memory_space<vmem>>
    %dma_wait3A_69 = tpu.memref_squeeze %dma_wait3A_68 : memref<1x128xi32, #tpu.memory_space<vmem>> -> memref<128xi32, #tpu.memory_space<vmem>>
    %dma_wait3A_70 = arith.constant 0 : i32
    %dma_wait3A_71 = arith.constant 0 : i32
    %dma_wait3A_72 = tpu.memref_slice %arg4[%dma_wait3A_70, %dma_wait3A_71] : memref<100000x128xf32, #tpu.memory_space<hbm>> -> memref<100000x128xf32, #tpu.memory_space<hbm>>
    tpu.wait_indirect_dma semaphore(%arg10 : memref<!tpu.dma_semaphore, #tpu.memory_space<semaphore_mem>>) src(%dma_wait3A_72 : memref<100000x128xf32, #tpu.memory_space<hbm>>) dst(%dma_wait3A_66 : memref<128x128xf32, #tpu.memory_space<vmem>>)
    %add3A_73 = arith.constant 199 : i32
    %add3A_74 = arith.addi %mul3A_2, %add3A_73 : i32
    %mul3A_75 = arith.constant 128 : i32
    %mul3A_76 = arith.muli %add3A_74, %mul3A_75 : i32
    %dma_start3A_77 = arith.constant 3 : i32
    %dma_start3A_78 = arith.constant 0 : i32
    %dma_start3A_79 = arith.constant 0 : i32
    %dma_start3A_80 = tpu.memref_slice %arg16[%dma_start3A_77, %dma_start3A_78, %dma_start3A_79] : memref<4x128x128xf32, #tpu.memory_space<vmem>> -> memref<1x128x128xf32, #tpu.memory_space<vmem>>
    %dma_start3A_81 = tpu.memref_squeeze %dma_start3A_80 : memref<1x128x128xf32, #tpu.memory_space<vmem>> -> memref<128x128xf32, #tpu.memory_space<vmem>>
    %dma_start3A_82 = arith.constant 0 : i32
    %dma_start3A_83 = tpu.memref_slice %arg6[%mul3A_76, %dma_start3A_82] : memref<819200x128xf32, #tpu.memory_space<hbm>> -> memref<128x128xf32, #tpu.memory_space<hbm>>
    %dma_start3A_84 = arith.constant 0 : i32
    %dma_start3A_85 = tpu.memref_slice %arg6[%mul3A_76, %dma_start3A_84] : memref<819200x128xf32, #tpu.memory_space<hbm>> -> memref<128x128xf32, #tpu.memory_space<hbm>>
    %dma_start3A_86 = arith.constant 0 : i32
    %dma_start3A_87 = arith.constant 0 : i32
    %dma_start3A_88 = tpu.memref_slice %arg16[%dma_start3A_77, %dma_start3A_86, %dma_start3A_87] : memref<4x128x128xf32, #tpu.memory_space<vmem>> -> memref<1x128x128xf32, #tpu.memory_space<vmem>>
    %dma_start3A_89 = tpu.memref_squeeze %dma_start3A_88 : memref<1x128x128xf32, #tpu.memory_space<vmem>> -> memref<128x128xf32, #tpu.memory_space<vmem>>
    tpu.enqueue_dma source(%dma_start3A_89 : memref<128x128xf32, #tpu.memory_space<vmem>>) target(%dma_start3A_85 : memref<128x128xf32, #tpu.memory_space<hbm>>) target_semaphore(%arg20 : memref<!tpu.dma_semaphore, #tpu.memory_space<semaphore_mem>>)
    %add3A_90 = arith.constant 196 : i32
    %add3A_91 = arith.addi %mul3A_2, %add3A_90 : i32
    %mul3A_92 = arith.constant 128 : i32
    %mul3A_93 = arith.muli %add3A_91, %mul3A_92 : i32
    %dma_wait3A_94 = arith.constant 0 : i32
    %dma_wait3A_95 = arith.constant 0 : i32
    %dma_wait3A_96 = arith.constant 0 : i32
    %dma_wait3A_97 = tpu.memref_slice %arg16[%dma_wait3A_94, %dma_wait3A_95, %dma_wait3A_96] : memref<4x128x128xf32, #tpu.memory_space<vmem>> -> memref<1x128x128xf32, #tpu.memory_space<vmem>>
    %dma_wait3A_98 = tpu.memref_squeeze %dma_wait3A_97 : memref<1x128x128xf32, #tpu.memory_space<vmem>> -> memref<128x128xf32, #tpu.memory_space<vmem>>
    %dma_wait3A_99 = arith.constant 0 : i32
    %dma_wait3A_100 = tpu.memref_slice %arg6[%mul3A_93, %dma_wait3A_99] : memref<819200x128xf32, #tpu.memory_space<hbm>> -> memref<128x128xf32, #tpu.memory_space<hbm>>
    %dma_wait3A_101 = arith.constant 0 : i32
    %dma_wait3A_102 = tpu.memref_slice %arg6[%mul3A_93, %dma_wait3A_101] : memref<819200x128xf32, #tpu.memory_space<hbm>> -> memref<128x128xf32, #tpu.memory_space<hbm>>
    %dma_wait3A_103 = arith.constant 0 : i32
    %dma_wait3A_104 = arith.constant 0 : i32
    %dma_wait3A_105 = tpu.memref_slice %arg16[%dma_wait3A_94, %dma_wait3A_103, %dma_wait3A_104] : memref<4x128x128xf32, #tpu.memory_space<vmem>> -> memref<1x128x128xf32, #tpu.memory_space<vmem>>
    %dma_wait3A_106 = tpu.memref_squeeze %dma_wait3A_105 : memref<1x128x128xf32, #tpu.memory_space<vmem>> -> memref<128x128xf32, #tpu.memory_space<vmem>>
    tpu.wait_dma2 semaphore(%arg17 : memref<!tpu.dma_semaphore, #tpu.memory_space<semaphore_mem>>) src(%dma_wait3A_106 : memref<128x128xf32, #tpu.memory_space<vmem>>) dst(%dma_wait3A_102 : memref<128x128xf32, #tpu.memory_space<hbm>>)
    %add3A_107 = arith.constant 197 : i32
    %add3A_108 = arith.addi %mul3A_2, %add3A_107 : i32
    %mul3A_109 = arith.constant 128 : i32
    %mul3A_110 = arith.muli %add3A_108, %mul3A_109 : i32
    %dma_wait3A_111 = arith.constant 1 : i32
    %dma_wait3A_112 = arith.constant 0 : i32
    %dma_wait3A_113 = arith.constant 0 : i32
    %dma_wait3A_114 = tpu.memref_slice %arg16[%dma_wait3A_111, %dma_wait3A_112, %dma_wait3A_113] : memref<4x128x128xf32, #tpu.memory_space<vmem>> -> memref<1x128x128xf32, #tpu.memory_space<vmem>>
    %dma_wait3A_115 = tpu.memref_squeeze %dma_wait3A_114 : memref<1x128x128xf32, #tpu.memory_space<vmem>> -> memref<128x128xf32, #tpu.memory_space<vmem>>
    %dma_wait3A_116 = arith.constant 0 : i32
    %dma_wait3A_117 = tpu.memref_slice %arg6[%mul3A_110, %dma_wait3A_116] : memref<819200x128xf32, #tpu.memory_space<hbm>> -> memref<128x128xf32, #tpu.memory_space<hbm>>
    %dma_wait3A_118 = arith.constant 0 : i32
    %dma_wait3A_119 = tpu.memref_slice %arg6[%mul3A_110, %dma_wait3A_118] : memref<819200x128xf32, #tpu.memory_space<hbm>> -> memref<128x128xf32, #tpu.memory_space<hbm>>
    %dma_wait3A_120 = arith.constant 0 : i32
    %dma_wait3A_121 = arith.constant 0 : i32
    %dma_wait3A_122 = tpu.memref_slice %arg16[%dma_wait3A_111, %dma_wait3A_120, %dma_wait3A_121] : memref<4x128x128xf32, #tpu.memory_space<vmem>> -> memref<1x128x128xf32, #tpu.memory_space<vmem>>
    %dma_wait3A_123 = tpu.memref_squeeze %dma_wait3A_122 : memref<1x128x128xf32, #tpu.memory_space<vmem>> -> memref<128x128xf32, #tpu.memory_space<vmem>>
    tpu.wait_dma2 semaphore(%arg18 : memref<!tpu.dma_semaphore, #tpu.memory_space<semaphore_mem>>) src(%dma_wait3A_123 : memref<128x128xf32, #tpu.memory_space<vmem>>) dst(%dma_wait3A_119 : memref<128x128xf32, #tpu.memory_space<hbm>>)
    %add3A_124 = arith.constant 198 : i32
    %add3A_125 = arith.addi %mul3A_2, %add3A_124 : i32
    %mul3A_126 = arith.constant 128 : i32
    %mul3A_127 = arith.muli %add3A_125, %mul3A_126 : i32
    %dma_wait3A_128 = arith.constant 2 : i32
    %dma_wait3A_129 = arith.constant 0 : i32
    %dma_wait3A_130 = arith.constant 0 : i32
    %dma_wait3A_131 = tpu.memref_slice %arg16[%dma_wait3A_128, %dma_wait3A_129, %dma_wait3A_130] : memref<4x128x128xf32, #tpu.memory_space<vmem>> -> memref<1x128x128xf32, #tpu.memory_space<vmem>>
    %dma_wait3A_132 = tpu.memref_squeeze %dma_wait3A_131 : memref<1x128x128xf32, #tpu.memory_space<vmem>> -> memref<128x128xf32, #tpu.memory_space<vmem>>
    %dma_wait3A_133 = arith.constant 0 : i32
    %dma_wait3A_134 = tpu.memref_slice %arg6[%mul3A_127, %dma_wait3A_133] : memref<819200x128xf32, #tpu.memory_space<hbm>> -> memref<128x128xf32, #tpu.memory_space<hbm>>
    %dma_wait3A_135 = arith.constant 0 : i32
    %dma_wait3A_136 = tpu.memref_slice %arg6[%mul3A_127, %dma_wait3A_135] : memref<819200x128xf32, #tpu.memory_space<hbm>> -> memref<128x128xf32, #tpu.memory_space<hbm>>
    %dma_wait3A_137 = arith.constant 0 : i32
    %dma_wait3A_138 = arith.constant 0 : i32
    %dma_wait3A_139 = tpu.memref_slice %arg16[%dma_wait3A_128, %dma_wait3A_137, %dma_wait3A_138] : memref<4x128x128xf32, #tpu.memory_space<vmem>> -> memref<1x128x128xf32, #tpu.memory_space<vmem>>
    %dma_wait3A_140 = tpu.memref_squeeze %dma_wait3A_139 : memref<1x128x128xf32, #tpu.memory_space<vmem>> -> memref<128x128xf32, #tpu.memory_space<vmem>>
    tpu.wait_dma2 semaphore(%arg19 : memref<!tpu.dma_semaphore, #tpu.memory_space<semaphore_mem>>) src(%dma_wait3A_140 : memref<128x128xf32, #tpu.memory_space<vmem>>) dst(%dma_wait3A_136 : memref<128x128xf32, #tpu.memory_space<hbm>>)
    %add3A_141 = arith.constant 199 : i32
    %add3A_142 = arith.addi %mul3A_2, %add3A_141 : i32
    %mul3A_143 = arith.constant 128 : i32
    %mul3A_144 = arith.muli %add3A_142, %mul3A_143 : i32
    %dma_wait3A_145 = arith.constant 3 : i32
    %dma_wait3A_146 = arith.constant 0 : i32
    %dma_wait3A_147 = arith.constant 0 : i32
    %dma_wait3A_148 = tpu.memref_slice %arg16[%dma_wait3A_145, %dma_wait3A_146, %dma_wait3A_147] : memref<4x128x128xf32, #tpu.memory_space<vmem>> -> memref<1x128x128xf32, #tpu.memory_space<vmem>>
    %dma_wait3A_149 = tpu.memref_squeeze %dma_wait3A_148 : memref<1x128x128xf32, #tpu.memory_space<vmem>> -> memref<128x128xf32, #tpu.memory_space<vmem>>
    %dma_wait3A_150 = arith.constant 0 : i32
    %dma_wait3A_151 = tpu.memref_slice %arg6[%mul3A_144, %dma_wait3A_150] : memref<819200x128xf32, #tpu.memory_space<hbm>> -> memref<128x128xf32, #tpu.memory_space<hbm>>
    %dma_wait3A_152 = arith.constant 0 : i32
    %dma_wait3A_153 = tpu.memref_slice %arg6[%mul3A_144, %dma_wait3A_152] : memref<819200x128xf32, #tpu.memory_space<hbm>> -> memref<128x128xf32, #tpu.memory_space<hbm>>
    %dma_wait3A_154 = arith.constant 0 : i32
    %dma_wait3A_155 = arith.constant 0 : i32
    %dma_wait3A_156 = tpu.memref_slice %arg16[%dma_wait3A_145, %dma_wait3A_154, %dma_wait3A_155] : memref<4x128x128xf32, #tpu.memory_space<vmem>> -> memref<1x128x128xf32, #tpu.memory_space<vmem>>
    %dma_wait3A_157 = tpu.memref_squeeze %dma_wait3A_156 : memref<1x128x128xf32, #tpu.memory_space<vmem>> -> memref<128x128xf32, #tpu.memory_space<vmem>>
    tpu.wait_dma2 semaphore(%arg20 : memref<!tpu.dma_semaphore, #tpu.memory_space<semaphore_mem>>) src(%dma_wait3A_157 : memref<128x128xf32, #tpu.memory_space<vmem>>) dst(%dma_wait3A_153 : memref<128x128xf32, #tpu.memory_space<hbm>>)
    return
  }
}

</mosaic_0001>

<sc_bundles>
// kernel: kernel.3.cloned.1.call-start
scs
__scs_entry_jumppad:
0x0: {  	(pc) =	sbr.rel $0x88, $3  }
0x1: {  	(tag) =	ssettag $0x0;
	lr =	simm.s32 $0x1  }
0x2: {  	[smem:$0x3F9D] =	sst lr;
	_ =	strace $0xD0000000  }
0x3: {  	_ = 	snop  }
0x4: {  	_ = 	snop  }
0x5: {  	_ = 	snop  }
0x6: {  	_ = 	snop  }
0x7: {  	_ = 	snop  }
__scs_overlays_trampoline_lowered:
0x8: {  	[smem:$0x3FAC] =	sst s0  }
0x9: {  	[smem:$0x3FAD] =	sst s1  }
0xa: {  	[smem:$0x3FAE] =	sst s2  }
0xb: {  	[smem:$0x3FAF] =	sst s3  }
0xc: {  	[smem:$0x3FB0] =	sst s4  }
0xd: {  	[smem:$0x3FB1] =	sst s5  }
0xe: {  	[smem:$0x3FB2] =	sst s6  }
0xf: {  	[smem:$0x3FB3] =	sst s7  }
0x10: {  	[smem:$0x3FB4] =	sst s8  }
0x11: {  	[smem:$0x3FB5] =	sst s9;
	s0 =	simm.s32 @!p0 $0x0  }
0x12: {  	s1 =	sld [smem:$0x3F9B];
	s0 =	simm.s32 @p0 $0x1  }
0x13: {  	[smem:$0x3FB6] =	sst s0;
	s0 =	simm.s32 @!p1 $0x0  }
0x14: {  	s2 =	sld [smem:$0x3F9A];
	s0 =	simm.s32 @p1 $0x1  }
0x15: {  	[smem:$0x3FB7] =	sst s0;
	s0 =	simm.s32 @!p2 $0x0  }
0x16: {  	s3 =	sld [smem:$0x3FDB];
	s0 =	simm.s32 @p2 $0x1  }
0x17: {  	s4 =	simm.s32 $0x1BF5;
	[smem:$0x3FB9] =	sst s0  }
0x18: {  	s0 =	sld [smem:$0x3F9C];
	_ =	swait.ge [sflag:s4], $0x0  }
0x19: {  	s7 =	sld [smem:$0x3F9D]  }
0x1a: {  	s8 =	sadd.s32 $0xFFFFE003, lr  }
0x1b: {  	s9 =	sadd.s32 $0xFFFFFEF7, lr;
	s5 =	simm.s32 $0xFFFFFFFF;
	p2 =	slt.u32 s8, $0xFFFFF086  }
0x1c: {  	p1 =	slt.u32 s9, $0xF7A;
	s5 =	simm.s32 @!p2 $0x0  }
0x1d: {  	s5 =	simm.s32 @p1 $0x1;
	p0 =	seq.s32 s7, s2  }
0x1e: {  	s7 =	smul.u32 @!p0 $0xF7A, s2;
	p2 =	seq.s32 @!p0 s5, $0x0  }
0x1f: {  	s9 =	smul.u32 $0xF7A, s1;
	s8 =	simm.s32 @!p0 $0x1BF5;
	p2 =	por !p2, p0  }
0x20: {  	[sflag:s8] =	ssyncset.s32 @!p0 $0xFFFFF086;
	s6 =	sadd.s32 @!p0 s3, s7;
	s7 =	simm.s32 @!p0 $0x108  }
0x21: {  	s3 =	sadd.s32 s3, s9;
	s6 =	sadd.s32 @!p0 $0x88, s6;
	s7 =	simm.s32 @p2 $0x1082  }
0x22: {  	[simem:s7], [sflag:s8] =	dma.local @!p0 [hbm:s6], $0xF7A  }
0x23: {  	s9 =	sor.u32 $0xD0000000, s2;
	s6 =	simm.s32 $0x108;
	_ =	swait.ge @!p0 [sflag:s8], $0x0  }
0x24: {  	s3 =	sadd.s32 $0x88, s3;
	s6 =	simm.s32 @!p1 $0x1082;
	[sflag:s4] =	ssyncset.s32 $0xFFFFF086  }
0x25: {  	[simem:s6], [sflag:s4] =	dma.local [hbm:s3], $0xF7A  }
0x26: {  	[smem:$0x3F9D] =	sst s1;
	(tag) =	ssettag s2;
	_ =	strace s9  }
0x27: {  	s1 =	sld [smem:$0x3FAD]  }
0x28: {  	s2 =	sld [smem:$0x3FAE]  }
0x29: {  	s4 =	sld [smem:$0x3FB0]  }
0x2a: {  	p0 =	seq.s32 s5, $0x0;
	s5 =	sld [smem:$0x3FB1]  }
0x2b: {  	s6 =	sld [smem:$0x3FB2]  }
0x2c: {  	s7 =	sld [smem:$0x3FB3]  }
0x2d: {  	s3 =	simm.s32 $0x108;
	s8 =	sld [smem:$0x3FB4]  }
0x2e: {  	s3 =	simm.s32 @!p0 $0x1082;
	s9 =	sld [smem:$0x3FB5]  }
0x2f: {  	lr =	sadd.s32 s0, s3;
	s0 =	sld [smem:$0x3FAC]  }
0x30: {  	s3 =	sld [smem:$0x3FAF]  }
0x31: {  	[smem:$0x3FB8] =	sst s10  }
0x32: {  	s10 =	sld [smem:$0x3FB6];
	_ =	sdelay $0x3  }
0x33: {  	p0 =	seq.s32 s10, $0x1;
	s10 =	sld [smem:$0x3FB8];
	_ =	sdelay $0x3  }
0x34: {  	[smem:$0x3FB8] =	sst s10  }
0x35: {  	s10 =	sld [smem:$0x3FB7];
	_ =	sdelay $0x3  }
0x36: {  	p1 =	seq.s32 s10, $0x1;
	s10 =	sld [smem:$0x3FB8];
	_ =	sdelay $0x3  }
0x37: {  	[smem:$0x3FB8] =	sst s10  }
0x38: {  	s10 =	sld [smem:$0x3FB9]  }
0x39: {  	_ = 	snop;
	(pc) =	sbr.ind lr, $3  }
0x3a: {  	_ = 	snop  }
0x3b: {  	_ = 	snop  }
0x3c: {  	p2 =	seq.s32 s10, $0x1;
	s10 =	sld [smem:$0x3FB8]  }
0x3d: {  	_ =	shalt  }
0x3e: {  	_ =	shalt  }
0x3f: {  	_ =	shalt  }
0x40: {  	_ =	shalt  }
0x41: {  	_ =	shalt  }
0x42: {  	_ =	shalt  }
0x43: {  	_ =	shalt  }
0x44: {  	_ =	shalt  }
0x45: {  	_ =	shalt  }
0x46: {  	_ =	shalt  }
0x47: {  	_ =	shalt  }
0x48: {  	_ =	shalt  }
0x49: {  	_ =	shalt  }
0x4a: {  	_ =	shalt  }
0x4b: {  	_ =	shalt  }
0x4c: {  	_ =	shalt  }
0x4d: {  	_ =	shalt  }
0x4e: {  	_ =	shalt  }
0x4f: {  	_ =	shalt  }
0x50: {  	_ =	shalt  }
0x51: {  	_ =	shalt  }
0x52: {  	_ =	shalt  }
0x53: {  	_ =	shalt  }
0x54: {  	_ =	shalt  }
0x55: {  	_ =	shalt  }
0x56: {  	_ =	shalt  }
0x57: {  	_ =	shalt  }
0x58: {  	_ =	shalt  }
0x59: {  	_ =	shalt  }
0x5a: {  	_ =	shalt  }
0x5b: {  	_ =	shalt  }
0x5c: {  	_ =	shalt  }
0x5d: {  	_ =	shalt  }
0x5e: {  	_ =	shalt  }
0x5f: {  	_ =	shalt  }
0x60: {  	_ =	shalt  }
0x61: {  	_ =	shalt  }
0x62: {  	_ =	shalt  }
0x63: {  	_ =	shalt  }
0x64: {  	_ =	shalt  }
0x65: {  	_ =	shalt  }
0x66: {  	_ =	shalt  }
0x67: {  	_ =	shalt  }
0x68: {  	_ =	shalt  }
0x69: {  	_ =	shalt  }
0x6a: {  	_ =	shalt  }
0x6b: {  	_ =	shalt  }
0x6c: {  	_ =	shalt  }
0x6d: {  	_ =	shalt  }
0x6e: {  	_ =	shalt  }
0x6f: {  	_ =	shalt  }
0x70: {  	_ =	shalt  }
0x71: {  	_ =	shalt  }
0x72: {  	_ =	shalt  }
0x73: {  	_ =	shalt  }
0x74: {  	_ =	shalt  }
0x75: {  	_ =	shalt  }
0x76: {  	_ =	shalt  }
0x77: {  	_ =	shalt  }
0x78: {  	_ =	shalt  }
0x79: {  	_ =	shalt  }
0x7a: {  	_ =	shalt  }
0x7b: {  	_ =	shalt  }
0x7c: {  	_ =	shalt  }
0x7d: {  	_ =	shalt  }
0x7e: {  	_ =	shalt  }
0x7f: {  	_ =	shalt  }
0x80: {  	_ =	shalt  }
0x81: {  	_ =	shalt  }
0x82: {  	_ =	shalt  }
0x83: {  	_ =	shalt  }
0x84: {  	_ =	shalt  }
0x85: {  	_ =	shalt  }
0x86: {  	_ =	shalt  }
0x87: {  	_ =	shalt  }
.Lfunc_end0:
.L_simem_size_0:
called_computation_lowered:
.L_overlay_start_0:
0x88: {  	s2 =	sld [smem:$0x3FD9]  }
0x89: {  	s3 =	sld [smem:$0x3FFE];
	_ =	sdelay $0x1  }
0x8a: {  	s1 =	srdreg.scid  }
0x8b: {  	s0 =	sand.u32 $0x1, s1  }
0x8c: {  	s17 =	sshll.u32 s0, $0xA;
	s2 =	sadd.s32 s3, s2  }
0x8d: {  	s2 =	sadd.s32 s2, s17  }
0x8e: {  	[smem:$0x3FC4] =	sst s2  }
0x8f: {  	_ = 	snop  }
0x90: {  	s2 =	sld [smem:$0x3FC7]  }
0x91: {  	s18 =	sld [smem:$0x3FC6]  }
0x92: {  	s4 =	sld [smem:$0x3FD0];
	(tm) =	ssettm $0x1  }
0x93: {  	s5 =	sld [smem:$0x3FFB];
	_ =	sdelay $0x3  }
0x94: {  	_ =	strace s5  }
0x95: {  	s5 =	sld [smem:$0x3FFC];
	_ =	sdelay $0x3  }
0x96: {  	_ =	strace s5  }
0x97: {  	s5 =	sld [smem:$0x3FFD];
	_ =	sdelay $0x3  }
0x98: {  	_ =	strace s5  }
0x99: {  	_ =	strace $0x8FFFFFFF  }
0x9a: {  	s19 =	sld [smem:$0x3FDB];
	_ =	sdelay $0x1  }
0x9b: {  	s6 =	simm.s32 $_scs_section_size  }
0x9c: {  	s7 =	simm.s32 $_size__tile_overlayer_lowered;
	s8 =	simm.s32 $_tile_overlayer_lowered  }
0x9d: {  	s22 =	simm.s32 $0x1BFF;
	s21 =	sshll.u32 s8, $0x1;
	s5 =	sadd.s32 s6, s19  }
0x9e: {  	s9 =	simm.s32 $0x0;
	s20 =	sshll.u32 s7, $0x1;
	s7 =	sadd.s32 s21, s5  }
0x9f: {  	[timem:s9], [sflag:s22] =	dma.local [hbm:s7], s20  }
0xa0: {  	_ =	swait.ge [sflag:s22], s20  }
0xa1: {  	s6 =	ssub.s32 $0x0, s20;
	[sflag:s22] =	ssyncset.done $0x0  }
0xa2: {  	[sflag:s22] =	ssyncadd.s32 s6;
	_ =	sdelay $0x1  }
0xa3: {  	s23 =	simm.s32 $0x1B8B  }
0xa4: {  	_ =	swait.ge [sflag:s23], $0x1  }
0xa5: {  	[sflag:s23] =	ssyncset.done $0x0  }
0xa6: {  	s25 =	simm.s32 $0x1B8E;
	s24 =	sld [smem:$0x3FFE];
	[sflag:s23] =	ssyncadd.s32 $0xFFFFFFFF  }
0xa7: {  	s26 =	simm.s32 $execute0_lowered;
	[smem:$0x3FD2] =	sst s25  }
0xa8: {  	s7 =	sshll.u32 s26, $0x1;
	_ =	strace $0x80000046;
	[dreg:$0x1] =	wrdreg $0xFFFFFFFF  }
0xa9: {  	s28 =	simm.s32 $_size_execute0_lowered;
	s5 =	sadd.s32 s5, s7;
	[dreg:$0x0] =	wrdreg $0x0  }
0xaa: {  	s7 =	sshll.u32 s28, $0x1;
	[dreg:$0x2] =	wrdreg s5  }
0xab: {  	[dreg:$0x3] =	wrdreg s7  }
0xac: {  	[dreg:$0x4] =	wrdreg $0xC0  }
0xad: {  	_ =	task [dreg:s9], $0x5FFFF  }
0xae: {  	[dreg:$0x1] =	wrdreg $0xFFFFFFFF  }
0xaf: {  	[dreg:$0x0] =	wrdreg $0x60  }
0xb0: {  	[dreg:$0x2] =	wrdreg s24  }
0xb1: {  	[dreg:$0x3] =	wrdreg s2  }
0xb2: {  	[dreg:$0x4] =	wrdreg s18  }
0xb3: {  	[dreg:$0x5] =	wrdreg s4  }
0xb4: {  	[dreg:$0x6] =	wrdreg $0x1C8000  }
0xb5: {  	[dreg:$0x7] =	wrdreg $0x9  }
0xb6: {  	_ =	task.clear_ibuf [dreg:s9], $0x8FFFF;
	_ =	strace $0x90000046  }
0xb7: {  	s29 =	simm.s32 $0x9;
	_ =	strace $0x80000048  }
0xb8: {  	_ =	swait.ge [sflag:s29], $0x1  }
0xb9: {  	[sflag:s29] =	ssyncadd.s32 $0xFFFFFFFF  }
0xba: {  	_ =	strace $0x90000048  }
0xbb: {  	_ =	sfence  }
0xbc: {  	s30 =	sld [smem:$0x0];
	_ =	sdelay $0x2  }
0xbd: {  	s31 =	sshll.u32 s1, $0xD;
	s1 =	sshrl.u32 s1, $0x2  }
0xbe: {  	s3 =	sand.u32 $0x4000, s31;
	s1 =	sadd.s32 s1, s30  }
0xbf: {  	s0 =	sor.u32 s3, s0;
	s1 =	sshll.u32 s1, $0x11  }
0xc0: {  	s0 =	sor.u32 s1, s0  }
0xc1: {  	s0 =	sadd.s32 $0x8F2B, s0  }
0xc2: {  	[sflag:s0] =	ssyncadd.remote.s32 $0x1  }
0xc3: {  	_ =	sfence.sel $0xFFFF  }
0xc4: {  	[dreg:$0x0] =	wrdreg $0xFFFFFFFF;
	(pc) =	sbr.abs _section_cstart, $3  }
0xc5: {  	[dreg:$0x1] =	wrdreg $0xFFFFFFFF  }
0xc6: {  	_ =	task.clear_ibuf [dreg:s9], $0x2FFFF;
	_ =	strace $0x9FFFFFFF  }
0xc7: {  	(tm) =	ssettm $0x7FFFFFFF  }
tec
execute0_lowered:
.L_overlay_start_1:
0x0: {  	(tag) =	ssettag $0x1  }
0x1: {  	s1 =	rddreg [dreg:$0x0]  }
0x2: {  	s0 =	rddreg [dreg:$0x1];
	s2 =	srdreg.scid  }
0x3: {  	s6 =	stileid.u32;
	s3 =	rddreg [dreg:$0x3]  }
0x4: {  	s2 =	sand.u32 $0x1, s2;
	s5 =	sshll.u32 s6, $0x1;
	s26 =	smul.u32 $0xC8000, s6  }
0x5: {  	s7 =	sor.u32 s2, s5;
	s9 =	ssub.s32 $0x2, s2;
	s2 =	smul.u32 $0x64000, s2  }
0x6: {  	s4 =	rddreg [dreg:$0x4];
	s23 =	simm.s32 $0x0;
	s8 =	smul.u32 $0xC80, s7  }
0x7: {  	s15 =	simm.s32 $0x80;
	[smem:$0x7FF] =	sst s23;
	s10 =	smul.u32 $0xC8, s7  }
0x8: {  	_ =	strace $0x80000047;
	s11 =	sshrl.u32 s9, $0x1;
	s7 =	smul.u32 $0x320000, s7  }
0x9: {  	s24 =	ssub.s32 s9, s11;
	s31 =	sadd.s32 s2, s26;
	[dreg:$0x6] =	wrdreg s10  }
0xa: {  	s1 =	sadd.s32 s8, s1;
	s30 =	smax.u32 s24, $0x1;
	[dreg:$0xc] =	wrdreg s31  }
0xb: {  	s7 =	sshrl.u32 s7, $0x3;
	s25 =	sadd.s32 $0x600, s1;
	[dreg:$0xb] =	wrdreg s30  }
0xc: {  	s1 =	sadd.s32 $0x19600, s1;
	s28 =	sadd.s32 s3, s7;
	[dreg:$0x7] =	wrdreg s25  }
0xd: {  	s21 =	simm.s32 $0x0;
	[dreg:$0x8] =	wrdreg s1;
	s29 =	sadd.s32 $0x63000, s28  }
0xe: {  	p0 =	sne.s32 s6, $0x0;
	s1 =	sadd.s32 $0x63800, s28;
	[dreg:$0x9] =	wrdreg s29  }
0xf: {  	s23 =	simm.s32 $0xA400;
	[dreg:$0xa] =	wrdreg s1;
	s1 =	sshrl.u32 @!p0 s4, $0x3  }
0x10: {  	s5 =	simm.s32 $0x0;
	s24 =	simm.s32 $0x6400;
	[dreg:$0xd] =	wrdreg s1  }
.LBB2_1:
0x11: {  	[dreg:$0xe] =	wrdreg s5  }
0x12: {  	s20 =	simm.s32 $0x0;
	s1 =	rddreg [dreg:$0x7];
	s2 =	simm.s32 $0xD  }
0x13: {  	[tilespmem:s20], [sflag:$0xD] =	stream.linear.gather [hbm4b:s1+s20], $0x6400, $0x38;
	[tilespmem:$0x1C810] =	vst v63  }
0x14: {  	_ =	swait.ge [sflag:s2], $0x6400  }
0x15: {  	[sflag:s2] =	ssyncset.done $0x0  }
0x16: {  	s6 =	simm.s32 $0x16400;
	s22 =	rddreg [dreg:$0x8];
	[sflag:s2] =	ssyncadd.s32 $0xFFFF9C00  }
0x17: {  	[tilespmem:s6], [sflag:$0xD] =	stream.linear.gather [hbm4b:s22+s20], $0x6400, $0x38;
	[tilespmem:$0x1C810] =	vst v63  }
0x18: {  	_ =	swait.ge [sflag:s2], $0x6400  }
0x19: {  	[sflag:s2] =	ssyncset.done $0x0  }
0x1a: {  	s6 =	rddreg [dreg:$0xd];
	[sflag:s2] =	ssyncadd.s32 $0xFFFF9C00  }
0x1b: {  	s1 =	simm.s32 @!p0 $0x1C0D;
	s2 =	rddreg [dreg:$0x2]  }
0x1c: {  	[spmem:s6], [sflag:s1] =	dma.local @!p0 [hbm:s2], $0x20  }
0x1d: {  	s1 =	simm.s32 @!p0 $0xD  }
0x1e: {  	p2 =	por $0x1, $0x1;
	_ =	swait.ge @!p0 [sflag:s1], $0x20  }
0x1f: {  	p1 =	por p2, p2;
	[sflag:s1] =	ssyncset.done @!p0 $0x0  }
0x20: {  	s7 =	simm.s32 @p1 $0x6400;
	s2 =	simm.s32 @p1 $0x80;
	[sflag:s1] =	ssyncadd.s32 @!p0 $0xFFFFFFE0  }
0x21: {  	s6 =	simm.s32 @p1 $0x16400;
	s1 =	simm.s32 @!p1 $0x9;
	[bflag:$0x0] =	sbarrier.arrive $0xFFFF  }
0x22: {  	[tilespmem:s7], [sflag:$0x5] =	stream.indirect.gather @p1 [spmem:s4], $0x80, s6, s2, $0xb8;
	[tilespmem:$0x1C810] =	vst v63  }
0x23: {  	_ =	swait.ge @!p1 [sflag:s1], $0x4000  }
0x24: {  	s2 =	simm.s32 @!p2 $0x16400;
	s6 =	simm.s32 @!p1 $0x8;
	[sflag:s1] =	ssyncset.done @!p1 $0x0  }
0x25: {  	s7 =	simm.s32 @!p1 $0x6400;
	[sflag:s1] =	ssyncadd.s32 @!p1 $0xFFFFC000;
	s1 =	simm.s32 @!p1 $0x80  }
0x26: {  	[tilespmem:s7], [sflag:$0x5] =	stream.indirect.gather @!p1 [spmem:s4], $0x80, s2, s1, $0xb8;
	[tilespmem:$0x1C810] =	vst v63  }
0x27: {  	s8 =	simm.s32 @!p1 $0x3;
	_ =	swait.ge @!p1 [sflag:s6], $0x4000  }
0x28: {  	s2 =	simm.s32 @!p2 $0xFFFFFF80;
	s10 =	rddreg [dreg:$0xc];
	[sflag:s6] =	ssyncset.done @!p1 $0x0  }
0x29: {  	s7 =	sadd.s32 @!p2 $0x1FFFF000, s10;
	[sflag:s6] =	ssyncadd.s32 @!p1 $0xFFFFC000;
	s6 =	simm.s32 @!p1 $0x12400  }
0x2a: {  	[tilespmem:s6], [sflag:$0x4] =	stream.indirect.gather.add.f32 @!p1 [hbm:s0], $0x80, s2, s1, $0xb8;
	[tilespmem:$0x1C810] =	vst v63  }
0x2b: {  	s1 =	sand.u32 @!p2 $0x1FFFF000, s7;
	_ =	swait.ge @!p1 [sflag:s8], $0x4000  }
0x2c: {  	s2 =	simm.s32 @!p1 $0xA;
	s7 =	simm.s32 @!p1 $0x0;
	[sflag:s8] =	ssyncset.done @!p1 $0x0  }
0x2d: {  	s1 =	sadd.s32 @!p2 s3, s1;
	[sflag:s8] =	ssyncadd.s32 @!p1 $0xFFFFC000;
	s8 =	simm.s32 @!p1 $0xE400  }
0x2e: {  	[hbm4b:s1+s7] =	stream.linear.scatter @!p1 [tilespmem:s8], [sflag:$0xB], $0x4000, $0x38;
	[tilespmem:$0x1C810] =	vst v63  }
0x2f: {  	s9 =	simm.s32 $0xA400;
	s25 =	simm.s32 $0x5;
	_ =	swait.ge @!p1 [sflag:s2], $0x4000  }
0x30: {  	s11 =	simm.s32 $0x6400;
	s1 =	simm.s32 @!p2 $0x16480;
	[sflag:s2] =	ssyncset.done @!p1 $0x0  }
0x31: {  	s12 =	simm.s32 $0xE400;
	s1 =	simm.s32 @p2 $0x16480;
	[sflag:s2] =	ssyncadd.s32 @!p1 $0xFFFFC000  }
0x32: {  	[tilespmem:s9], [sflag:$0x6] =	stream.indirect.gather [spmem:s4], $0x80, s1, s15, $0xb8;
	[tilespmem:$0x1C810] =	vst v63  }
0x33: {  	s13 =	simm.s32 $0x1;
	s1 =	simm.s32 @!p2 $0x0;
	_ =	swait.ge [sflag:s25], $0x4000  }
0x34: {  	s16 =	simm.s32 $0x12400;
	s1 =	simm.s32 @p2 $0x0;
	[sflag:s25] =	ssyncset.done $0x0  }
0x35: {  	s8 =	simm.s32 @!p1 $0x4;
	s26 =	sshra.s32 s1, $0x2;
	[sflag:s25] =	ssyncadd.s32 $0xFFFFC000  }
0x36: {  	[tilespmem:s11], [sflag:$0x1] =	stream.indirect.gather.add.f32 [hbm:s0], $0x80, s26, s15, $0xb8;
	[tilespmem:$0x1C810] =	vst v63  }
0x37: {  	s17 =	simm.s32 $0x7;
	s2 =	sadd.s32 @!p2 $0x1FFFF800, s10;
	_ =	swait.ge @!p1 [sflag:s8], $0x4000  }
0x38: {  	s19 =	simm.s32 $0x2;
	s2 =	sand.u32 @!p2 $0x1FFFF800, s2;
	[sflag:s8] =	ssyncset.done @!p1 $0x0  }
0x39: {  	s2 =	sadd.s32 @!p2 s3, s2;
	[sflag:s8] =	ssyncadd.s32 @!p1 $0xFFFFC000;
	s8 =	simm.s32 @!p1 $0xB  }
0x3a: {  	[hbm4b:s2+s7] =	stream.linear.scatter @!p1 [tilespmem:s6], [sflag:$0xC], $0x4000, $0x38;
	[tilespmem:$0x1C810] =	vst v63  }
0x3b: {  	s14 =	sadd.s32 s10, s3;
	s1 =	sshra.s32 @!p2 s1, $0x2;
	_ =	swait.ge @!p1 [sflag:s8], $0x4000  }
0x3c: {  	s1 =	sadd.s32 @!p2 $0x16400, s1;
	s2 =	simm.s32 @!p2 $0x16500;
	[sflag:s8] =	ssyncset.done @!p1 $0x0  }
0x3d: {  	s26 =	simm.s32 $0xC00;
	s2 =	simm.s32 @p2 $0x16500;
	[sflag:s8] =	ssyncadd.s32 @!p1 $0xFFFFC000  }
0x3e: {  	[tilespmem:s12], [sflag:$0x7] =	stream.indirect.gather [spmem:s4], $0x80, s2, s15, $0xb8;
	[tilespmem:$0x1C810] =	vst v63  }
0x3f: {  	s1 =	simm.s32 @p2 $0x16400;
	s8 =	simm.s32 $0x1;
	s2 =	simm.s32 $0x6  }
0x40: {  	s1 =	sadd.s32 $0x180, s1;
	s8 =	simm.s32 @p1 $0x1;
	_ =	swait.ge [sflag:s2], $0x4000  }
0x41: {  	s6 =	sadd.s32 $0x2000, s10;
	s7 =	sshll.u32 s8, $0x7;
	[sflag:s2] =	ssyncset.done $0x0  }
0x42: {  	[sflag:s2] =	ssyncadd.s32 $0xFFFFC000;
	s2 =	sand.u32 $0x3FFFFF80, s7;
	s7 =	simm.s32 $0x400  }
0x43: {  	[tilespmem:s9], [sflag:$0x2] =	stream.indirect.gather.add.f32 [hbm:s0], $0x80, s2, s15, $0xb8;
	[tilespmem:$0x1C810] =	vst v63  }
0x44: {  	s30 =	sadd.s32 $0x2000, s6;
	s7 =	simm.s32 @p2 $0x400;
	_ =	swait.ge [sflag:s13], $0x4000  }
0x45: {  	s9 =	simm.s32 @!p1 $0xC;
	p2 =	por $0x0, $0x0;
	[sflag:s13] =	ssyncset.done $0x0  }
0x46: {  	s2 =	simm.s32 @!p2 $0x16600;
	s10 =	sadd.s32 @!p2 $0x1FFFF000, s6;
	[sflag:s13] =	ssyncadd.s32 $0xFFFFC000  }
0x47: {  	[hbm4b:s14+s20] =	stream.linear.scatter [tilespmem:s11], [sflag:$0x9], $0x4000, $0x38;
	[tilespmem:$0x1C810] =	vst v63  }
0x48: {  	s31 =	simm.s32 @!p2 $0x180;
	s28 =	simm.s32 @!p2 $0x16680;
	_ =	swait.ge @!p1 [sflag:s9], $0x4000  }
0x49: {  	s25 =	simm.s32 @!p2 $0x800;
	s18 =	sshra.s32 s7, $0x2;
	[sflag:s9] =	ssyncset.done @!p1 $0x0  }
0x4a: {  	s26 =	simm.s32 @p2 $0x400;
	s25 =	simm.s32 @p2 $0x0;
	[sflag:s9] =	ssyncadd.s32 @!p1 $0xFFFFC000  }
0x4b: {  	[tilespmem:s16], [sflag:$0x8] =	stream.indirect.gather [spmem:s4], $0x80, s1, s15, $0xb8;
	[tilespmem:$0x1C810] =	vst v63  }
0x4c: {  	s28 =	simm.s32 @p2 $0x16480;
	s7 =	sshra.s32 @!p2 s25, $0x2;
	_ =	swait.ge [sflag:s17], $0x4000  }
0x4d: {  	s14 =	simm.s32 $0x1400;
	s7 =	sadd.s32 @!p2 $0x16400, s7;
	[sflag:s17] =	ssyncset.done $0x0  }
0x4e: {  	s7 =	simm.s32 @p2 $0x16400;
	s9 =	simm.s32 @!p2 $0x16700;
	[sflag:s17] =	ssyncadd.s32 $0xFFFFC000  }
0x4f: {  	[tilespmem:s12], [sflag:$0x3] =	stream.indirect.gather.add.f32 [hbm:s0], $0x80, s18, s15, $0xb8;
	[tilespmem:$0x1C810] =	vst v63  }
0x50: {  	p1 =	por p2, p2;
	s1 =	sand.u32 @!p2 $0x1FFFF000, s10;
	_ =	swait.ge [sflag:s19], $0x4000  }
0x51: {  	s29 =	sadd.s32 @!p2 s3, s1;
	s1 =	sadd.s32 @!p2 $0x1FFFF800, s6;
	s20 =	rddreg [dreg:$0x6]  }
0x52: {  	s9 =	simm.s32 @p2 $0x16500;
	s1 =	sand.u32 @!p2 $0x1FFFF800, s1;
	s22 =	sadd.s32 s20, s8  }
0x53: {  	s13 =	simm.s32 @!p1 $0x9;
	s10 =	sadd.s32 @!p2 s3, s1;
	s1 =	sshll.u32 s22, $0xB  }
0x54: {  	s12 =	simm.s32 @!p1 $0x8;
	[sflag:s19] =	ssyncset.done $0x0;
	s1 =	sand.u32 $0x1FFFE800, s1  }
0x55: {  	[sflag:s19] =	ssyncadd.s32 $0xFFFFC000;
	s8 =	simm.s32 $0x5;
	s1 =	sadd.s32 s3, s1  }
.LBB2_2:
0x56: {  	[hbm4b:s1+s21] =	stream.linear.scatter [tilespmem:s23], [sflag:$0xA], $0x4000, $0x38;
	[tilespmem:$0x1C810] =	vst v63  }
0x57: {  	s11 =	simm.s32 @p1 $0x80;
	s22 =	simm.s32 @p1 $0x16400;
	s5 =	simm.s32 @p1 $0x6400  }
0x58: {  	[tilespmem:s5], [sflag:$0x5] =	stream.indirect.gather @p1 [spmem:s4], $0x80, s22, s11, $0xb8;
	[tilespmem:$0x1C810] =	vst v63  }
0x59: {  	_ =	swait.ge @!p1 [sflag:s13], $0x4000  }
0x5a: {  	[sflag:s13] =	ssyncset.done @!p1 $0x0  }
0x5b: {  	s22 =	simm.s32 @!p1 $0x6400;
	[sflag:s13] =	ssyncadd.s32 @!p1 $0xFFFFC000;
	s13 =	simm.s32 @!p1 $0x80  }
0x5c: {  	[tilespmem:s22], [sflag:$0x5] =	stream.indirect.gather @!p1 [spmem:s4], $0x80, s2, s13, $0xb8;
	[tilespmem:$0x1C810] =	vst v63  }
0x5d: {  	s1 =	smov.u32 s14;
	_ =	swait.ge @!p1 [sflag:s12], $0x4000  }
0x5e: {  	s19 =	simm.s32 @!p1 $0x12400;
	p2 =	seq.s32 s1, $0x400;
	[sflag:s12] =	ssyncset.done @!p1 $0x0  }
0x5f: {  	s2 =	sadd.s32 @!p2 $0x1FFFF000, s30;
	[sflag:s12] =	ssyncadd.s32 @!p1 $0xFFFFC000;
	s12 =	simm.s32 @!p1 $0x3  }
0x60: {  	[tilespmem:s19], [sflag:$0x4] =	stream.indirect.gather.add.f32 @!p1 [hbm:s0], $0x80, s31, s13, $0xb8;
	[tilespmem:$0x1C810] =	vst v63  }
0x61: {  	s2 =	sand.u32 @!p2 $0x1FFFF000, s2;
	_ =	swait.ge @!p1 [sflag:s12], $0x4000  }
0x62: {  	s17 =	simm.s32 @!p1 $0x0;
	s13 =	sadd.s32 @!p2 s3, s2;
	[sflag:s12] =	ssyncset.done @!p1 $0x0  }
0x63: {  	s2 =	simm.s32 @!p1 $0xA;
	[sflag:s12] =	ssyncadd.s32 @!p1 $0xFFFFC000;
	s12 =	simm.s32 @!p1 $0xE400  }
0x64: {  	[hbm4b:s29+s17] =	stream.linear.scatter @!p1 [tilespmem:s12], [sflag:$0xB], $0x4000, $0x38;
	[tilespmem:$0x1C810] =	vst v63  }
0x65: {  	_ =	swait.ge @!p1 [sflag:s2], $0x4000  }
0x66: {  	s5 =	sshra.s32 @!p2 s1, $0x2;
	s16 =	sadd.s32 @!p2 $0xFFFFFC00, s1;
	[sflag:s2] =	ssyncset.done @!p1 $0x0  }
0x67: {  	s11 =	sadd.s32 @!p2 $0x16300, s5;
	[sflag:s2] =	ssyncadd.s32 @!p1 $0xFFFFC000;
	s2 =	simm.s32 $0x5  }
0x68: {  	[tilespmem:s23], [sflag:$0x6] =	stream.indirect.gather [spmem:s4], $0x80, s28, s15, $0xb8;
	[tilespmem:$0x1C810] =	vst v63  }
0x69: {  	s18 =	sadd.s32 @!p2 $0x16380, s5;
	s16 =	simm.s32 @p2 $0x0;
	_ =	swait.ge [sflag:s2], $0x4000  }
0x6a: {  	s22 =	sadd.s32 @!p2 $0xFFFFFE80, s5;
	s5 =	sadd.s32 @!p2 $0x16400, s5;
	[sflag:s2] =	ssyncset.done $0x0  }
0x6b: {  	[sflag:s2] =	ssyncadd.s32 $0xFFFFC000;
	s2 =	sshra.s32 s25, $0x2;
	s25 =	simm.s32 @!p1 $0x4  }
0x6c: {  	[tilespmem:s24], [sflag:$0x1] =	stream.indirect.gather.add.f32 [hbm:s0], $0x80, s2, s15, $0xb8;
	[tilespmem:$0x1C810] =	vst v63  }
0x6d: {  	s5 =	simm.s32 @p2 $0x16500;
	s31 =	smov.u32 s22;
	_ =	swait.ge @!p1 [sflag:s25], $0x4000  }
0x6e: {  	s22 =	simm.s32 $0x1;
	s12 =	sadd.s32 @!p2 $0x1FFFF800, s30;
	[sflag:s25] =	ssyncset.done @!p1 $0x0  }
0x6f: {  	s2 =	smov.u32 s11;
	s11 =	simm.s32 @!p1 $0xB;
	[sflag:s25] =	ssyncadd.s32 @!p1 $0xFFFFC000  }
0x70: {  	[hbm4b:s10+s17] =	stream.linear.scatter @!p1 [tilespmem:s19], [sflag:$0xC], $0x4000, $0x38;
	[tilespmem:$0x1C810] =	vst v63  }
0x71: {  	s29 =	sshra.s32 @!p2 s16, $0x2;
	s12 =	sand.u32 @!p2 $0x1FFFF800, s12;
	_ =	swait.ge @!p1 [sflag:s11], $0x4000  }
0x72: {  	s25 =	smov.u32 s16;
	s16 =	simm.s32 $0xE400;
	[sflag:s11] =	ssyncset.done @!p1 $0x0  }
0x73: {  	s19 =	simm.s32 $0x6;
	[sflag:s11] =	ssyncadd.s32 @!p1 $0xFFFFC000;
	s11 =	smov.u32 s8  }
0x74: {  	[tilespmem:s16], [sflag:$0x7] =	stream.indirect.gather [spmem:s4], $0x80, s9, s15, $0xb8;
	[tilespmem:$0x1C810] =	vst v63  }
0x75: {  	s20 =	sadd.s32 @!p2 s3, s12;
	s11 =	simm.s32 @p1 $0x1;
	_ =	swait.ge [sflag:s19], $0x4000  }
0x76: {  	s10 =	smov.u32 s20;
	s20 =	sshll.u32 s11, $0x7;
	[sflag:s19] =	ssyncset.done $0x0  }
0x77: {  	s9 =	smov.u32 s5;
	s5 =	sand.u32 $0x3FFFFF80, s20;
	[sflag:s19] =	ssyncadd.s32 $0xFFFFC000  }
0x78: {  	[tilespmem:s23], [sflag:$0x2] =	stream.indirect.gather.add.f32 [hbm:s0], $0x80, s5, s15, $0xb8;
	[tilespmem:$0x1C810] =	vst v63  }
0x79: {  	_ =	swait.ge [sflag:s22], $0x4000  }
0x7a: {  	s6 =	sadd.s32 s6, s3;
	s12 =	sadd.s32 @!p2 $0x16400, s29;
	[sflag:s22] =	ssyncset.done $0x0  }
0x7b: {  	s29 =	smov.u32 s13;
	s13 =	simm.s32 @!p1 $0xC;
	[sflag:s22] =	ssyncadd.s32 $0xFFFFC000  }
0x7c: {  	[hbm4b:s6+s21] =	stream.linear.scatter [tilespmem:s24], [sflag:$0x9], $0x4000, $0x38;
	[tilespmem:$0x1C810] =	vst v63  }
0x7d: {  	s18 =	simm.s32 @p2 $0x16480;
	_ =	swait.ge @!p1 [sflag:s13], $0x4000  }
0x7e: {  	s28 =	smov.u32 s18;
	s18 =	simm.s32 $0x7;
	[sflag:s13] =	ssyncset.done @!p1 $0x0  }
0x7f: {  	s17 =	simm.s32 $0x12400;
	[sflag:s13] =	ssyncadd.s32 @!p1 $0xFFFFC000;
	s13 =	sadd.s32 $0x180, s7  }
0x80: {  	[tilespmem:s17], [sflag:$0x8] =	stream.indirect.gather [spmem:s4], $0x80, s13, s15, $0xb8;
	[tilespmem:$0x1C810] =	vst v63  }
0x81: {  	s14 =	sadd.s32 $0x800, s14;
	_ =	swait.ge [sflag:s18], $0x4000  }
0x82: {  	p3 =	sne.s32 s14, $0x19400;
	s1 =	simm.s32 @p2 $0x400;
	[sflag:s18] =	ssyncset.done $0x0  }
0x83: {  	s20 =	simm.s32 $0x2;
	s19 =	sshra.s32 s26, $0x2;
	[sflag:s18] =	ssyncadd.s32 $0xFFFFC000  }
0x84: {  	[tilespmem:s16], [sflag:$0x3] =	stream.indirect.gather.add.f32 [hbm:s0], $0x80, s19, s15, $0xb8;
	[tilespmem:$0x1C810] =	vst v63  }
0x85: {  	s12 =	simm.s32 @p2 $0x16400;
	s8 =	sadd.s32 $0x4, s8;
	_ =	swait.ge [sflag:s20], $0x4000  }
.Ltmp0:
0x86: {  	s26 =	smov.u32 s1;
	s22 =	rddreg [dreg:$0x6];
	(pc) =	sbr.rel @p3 .LBB2_2-.Ltmp0, $4  }
0x87: {  	s6 =	smov.u32 s30;
	s30 =	sadd.s32 $0x2000, s30;
	s1 =	sadd.s32 s22, s11  }
0x88: {  	s7 =	smov.u32 s12;
	p1 =	por p2, p2;
	s1 =	sshll.u32 s1, $0xB  }
0x89: {  	s13 =	simm.s32 @!p1 $0x9;
	[sflag:s20] =	ssyncset.done $0x0;
	s1 =	sand.u32 $0x1FFFE800, s1  }
0x8a: {  	s12 =	simm.s32 @!p1 $0x8;
	[sflag:s20] =	ssyncadd.s32 $0xFFFFC000;
	s1 =	sadd.s32 s3, s1  }
0x8b: {  	s14 =	simm.s32 $0x0;
	s16 =	simm.s32 $0xA400  }
0x8c: {  	[hbm4b:s1+s14] =	stream.linear.scatter [tilespmem:s16], [sflag:$0xA], $0x4000, $0x38;
	[tilespmem:$0x1C810] =	vst v63  }
0x8d: {  	s5 =	simm.s32 @p1 $0x16400;
	s11 =	simm.s32 @p1 $0x6400;
	s1 =	simm.s32 @p1 $0x80  }
0x8e: {  	[tilespmem:s11], [sflag:$0x5] =	stream.indirect.gather @p1 [spmem:s4], $0x80, s5, s1, $0xb8;
	[tilespmem:$0x1C810] =	vst v63  }
0x8f: {  	_ =	swait.ge @!p1 [sflag:s13], $0x4000  }
0x90: {  	[sflag:s13] =	ssyncset.done @!p1 $0x0  }
0x91: {  	s1 =	simm.s32 @!p1 $0x6400;
	s5 =	simm.s32 @!p1 $0x80;
	[sflag:s13] =	ssyncadd.s32 @!p1 $0xFFFFC000  }
0x92: {  	[tilespmem:s1], [sflag:$0x5] =	stream.indirect.gather @!p1 [spmem:s4], $0x80, s2, s5, $0xb8;
	[tilespmem:$0x1C810] =	vst v63  }
0x93: {  	_ =	swait.ge @!p1 [sflag:s12], $0x4000  }
0x94: {  	[sflag:s12] =	ssyncset.done @!p1 $0x0  }
0x95: {  	s1 =	simm.s32 @!p1 $0x12400;
	s2 =	simm.s32 @!p1 $0x3;
	[sflag:s12] =	ssyncadd.s32 @!p1 $0xFFFFC000  }
0x96: {  	[tilespmem:s1], [sflag:$0x4] =	stream.indirect.gather.add.f32 @!p1 [hbm:s0], $0x80, s31, s5, $0xb8;
	[tilespmem:$0x1C810] =	vst v63  }
0x97: {  	_ =	swait.ge @!p1 [sflag:s2], $0x4000  }
0x98: {  	[sflag:s2] =	ssyncset.done @!p1 $0x0  }
0x99: {  	s5 =	simm.s32 @!p1 $0xE400;
	[sflag:s2] =	ssyncadd.s32 @!p1 $0xFFFFC000;
	s2 =	simm.s32 @!p1 $0x0  }
0x9a: {  	[hbm4b:s29+s2] =	stream.linear.scatter @!p1 [tilespmem:s5], [sflag:$0xB], $0x4000, $0x38;
	[tilespmem:$0x1C810] =	vst v63  }
0x9b: {  	s5 =	simm.s32 @!p1 $0xA  }
0x9c: {  	_ =	swait.ge @!p1 [sflag:s5], $0x4000  }
0x9d: {  	[sflag:s5] =	ssyncset.done @!p1 $0x0  }
0x9e: {  	s22 =	simm.s32 $0x5;
	[sflag:s5] =	ssyncadd.s32 @!p1 $0xFFFFC000  }
0x9f: {  	[tilespmem:s16], [sflag:$0x6] =	stream.indirect.gather [spmem:s4], $0x80, s28, s15, $0xb8;
	[tilespmem:$0x1C810] =	vst v63  }
0xa0: {  	_ =	swait.ge [sflag:s22], $0x4000  }
0xa1: {  	s25 =	sshra.s32 s25, $0x2;
	[sflag:s22] =	ssyncset.done $0x0  }
0xa2: {  	s5 =	simm.s32 @!p1 $0x4;
	s28 =	simm.s32 $0x6400;
	[sflag:s22] =	ssyncadd.s32 $0xFFFFC000  }
0xa3: {  	[tilespmem:s28], [sflag:$0x1] =	stream.indirect.gather.add.f32 [hbm:s0], $0x80, s25, s15, $0xb8;
	[tilespmem:$0x1C810] =	vst v63  }
0xa4: {  	_ =	swait.ge @!p1 [sflag:s5], $0x4000  }
0xa5: {  	[sflag:s5] =	ssyncset.done @!p1 $0x0  }
0xa6: {  	[sflag:s5] =	ssyncadd.s32 @!p1 $0xFFFFC000  }
0xa7: {  	[hbm4b:s10+s2] =	stream.linear.scatter @!p1 [tilespmem:s1], [sflag:$0xC], $0x4000, $0x38;
	[tilespmem:$0x1C810] =	vst v63  }
0xa8: {  	s1 =	simm.s32 @!p1 $0xB  }
0xa9: {  	_ =	swait.ge @!p1 [sflag:s1], $0x4000  }
0xaa: {  	[sflag:s1] =	ssyncset.done @!p1 $0x0  }
0xab: {  	s30 =	simm.s32 $0x6;
	s29 =	simm.s32 $0xE400;
	[sflag:s1] =	ssyncadd.s32 @!p1 $0xFFFFC000  }
0xac: {  	[tilespmem:s29], [sflag:$0x7] =	stream.indirect.gather [spmem:s4], $0x80, s9, s15, $0xb8;
	[tilespmem:$0x1C810] =	vst v63  }
0xad: {  	s8 =	simm.s32 @p1 $0x1;
	_ =	swait.ge [sflag:s30], $0x4000  }
0xae: {  	s31 =	sshll.u32 s8, $0x7;
	[sflag:s30] =	ssyncset.done $0x0  }
0xaf: {  	s5 =	simm.s32 $0x1;
	s1 =	sand.u32 $0x3FFFFF80, s31;
	[sflag:s30] =	ssyncadd.s32 $0xFFFFC000  }
0xb0: {  	[tilespmem:s16], [sflag:$0x2] =	stream.indirect.gather.add.f32 [hbm:s0], $0x80, s1, s15, $0xb8;
	[tilespmem:$0x1C810] =	vst v63  }
0xb1: {  	_ =	swait.ge [sflag:s5], $0x4000  }
0xb2: {  	[sflag:s5] =	ssyncset.done $0x0  }
0xb3: {  	s6 =	sadd.s32 s6, s3;
	s1 =	simm.s32 @!p1 $0xC;
	[sflag:s5] =	ssyncadd.s32 $0xFFFFC000  }
0xb4: {  	[hbm4b:s6+s14] =	stream.linear.scatter [tilespmem:s28], [sflag:$0x9], $0x4000, $0x38;
	[tilespmem:$0x1C810] =	vst v63  }
0xb5: {  	_ =	swait.ge @!p1 [sflag:s1], $0x4000  }
0xb6: {  	s7 =	sadd.s32 $0x180, s7;
	[sflag:s1] =	ssyncset.done @!p1 $0x0  }
0xb7: {  	s10 =	simm.s32 $0x7;
	s9 =	simm.s32 $0x12400;
	[sflag:s1] =	ssyncadd.s32 @!p1 $0xFFFFC000  }
0xb8: {  	[tilespmem:s9], [sflag:$0x8] =	stream.indirect.gather [spmem:s4], $0x80, s7, s15, $0xb8;
	[tilespmem:$0x1C810] =	vst v63  }
0xb9: {  	_ =	swait.ge [sflag:s10], $0x4000  }
0xba: {  	[sflag:s10] =	ssyncset.done $0x0  }
0xbb: {  	s11 =	sshra.s32 s26, $0x2;
	s12 =	simm.s32 $0x2;
	[sflag:s10] =	ssyncadd.s32 $0xFFFFC000  }
0xbc: {  	[tilespmem:s29], [sflag:$0x3] =	stream.indirect.gather.add.f32 [hbm:s0], $0x80, s11, s15, $0xb8;
	[tilespmem:$0x1C810] =	vst v63  }
0xbd: {  	_ =	swait.ge [sflag:s12], $0x4000  }
0xbe: {  	s13 =	rddreg [dreg:$0x6]  }
0xbf: {  	s1 =	sadd.s32 s13, s8  }
0xc0: {  	s1 =	sshll.u32 s1, $0xB  }
0xc1: {  	[sflag:s12] =	ssyncset.done $0x0;
	s1 =	sand.u32 $0x1FFFE800, s1  }
0xc2: {  	[sflag:s12] =	ssyncadd.s32 $0xFFFFC000;
	s1 =	sadd.s32 s3, s1  }
0xc3: {  	[hbm4b:s1+s14] =	stream.linear.scatter [tilespmem:s16], [sflag:$0xA], $0x4000, $0x38;
	[tilespmem:$0x1C810] =	vst v63  }
0xc4: {  	s16 =	simm.s32 $0x8  }
0xc5: {  	_ =	swait.ge [sflag:s16], $0x4000  }
0xc6: {  	[sflag:s16] =	ssyncset.done $0x0  }
0xc7: {  	s17 =	simm.s32 $0x6380;
	s18 =	simm.s32 $0x3;
	[sflag:s16] =	ssyncadd.s32 $0xFFFFC000  }
0xc8: {  	[tilespmem:s9], [sflag:$0x4] =	stream.indirect.gather.add.f32 [hbm:s0], $0x80, s17, s15, $0xb8;
	[tilespmem:$0x1C810] =	vst v63  }
0xc9: {  	_ =	swait.ge [sflag:s18], $0x4000  }
0xca: {  	[sflag:s18] =	ssyncset.done $0x0  }
0xcb: {  	s20 =	simm.s32 $0x4;
	s19 =	rddreg [dreg:$0x9];
	[sflag:s18] =	ssyncadd.s32 $0xFFFFC000  }
0xcc: {  	[hbm4b:s19+s14] =	stream.linear.scatter [tilespmem:s29], [sflag:$0xB], $0x4000, $0x38;
	[tilespmem:$0x1C810] =	vst v63  }
0xcd: {  	_ =	swait.ge [sflag:s20], $0x4000  }
0xce: {  	[sflag:s20] =	ssyncset.done $0x0  }
0xcf: {  	s25 =	simm.s32 $0x9;
	s22 =	rddreg [dreg:$0xa];
	[sflag:s20] =	ssyncadd.s32 $0xFFFFC000  }
0xd0: {  	[hbm4b:s22+s14] =	stream.linear.scatter [tilespmem:s9], [sflag:$0xC], $0x4000, $0x38;
	[tilespmem:$0x1C810] =	vst v63  }
0xd1: {  	_ =	swait.ge [sflag:s25], $0x4000  }
0xd2: {  	[sflag:s25] =	ssyncset.done $0x0  }
0xd3: {  	s26 =	simm.s32 $0xA;
	[sflag:s25] =	ssyncadd.s32 $0xFFFFC000  }
0xd4: {  	_ =	swait.ge [sflag:s26], $0x4000  }
0xd5: {  	[sflag:s26] =	ssyncset.done $0x0  }
0xd6: {  	s28 =	simm.s32 $0xB;
	[sflag:s26] =	ssyncadd.s32 $0xFFFFC000  }
0xd7: {  	_ =	swait.ge [sflag:s28], $0x4000  }
0xd8: {  	[sflag:s28] =	ssyncset.done $0x0  }
0xd9: {  	s29 =	simm.s32 $0xC;
	[sflag:s28] =	ssyncadd.s32 $0xFFFFC000  }
0xda: {  	_ =	swait.ge [sflag:s29], $0x4000  }
0xdb: {  	s30 =	rddreg [dreg:$0xe]  }
0xdc: {  	s31 =	rddreg [dreg:$0xb];
	s5 =	sadd.s32 $0x1, s30  }
0xdd: {  	p1 =	sne.s32 s5, s31  }
.Ltmp1:
0xde: {  	_ = 	snop;
	(pc) =	sbr.rel @p1 .LBB2_1-.Ltmp1, $3  }
0xdf: {  	_ =	sdelay $0x1  }
0xe0: {  	[sflag:s29] =	ssyncset.done $0x0  }
0xe1: {  	[sflag:s29] =	ssyncadd.s32 $0xFFFFC000  }
0xe2: {  	_ =	sfence.sel $0x180000  }
0xe3: {  	[bflag:$0x0] =	sbarrier.arrive $0xFFFF  }
0xe4: {  	_ =	strace $0x90000047  }
0xe5: {  	[bflag:$0x2] =	sbarrier.arrive $0xFFFF  }
0xe6: {  	s0 =	rddreg [dreg:$0x5]  }
0xe7: {  	s0 =	sadd.s32 @!p0 $0x100000, s0  }
0xe8: {  	[sflag:s0] =	ssyncadd.tile.s32 @!p0 $0x1;
	_ =	shalt  }
.Lfunc_end2:
_tile_overlayer_lowered:
.L_overlay_start_2:
0xe9: {  	(tag) =	ssettag $0x2  }
0xea: {  	s0 =	rddreg [dreg:$0x0];
	s2 =	stileid.u32  }
0xeb: {  	s1 =	rddreg [dreg:$0x1];
	p0 =	sne.s32 s2, $0x0  }
0xec: {  	s3 =	rddreg [dreg:$0x2];
	[bflag:$0x3] =	sbarrier.arrive $0xFFFF;
	s2 =	simm.s32 @!p0 $0x1C0D  }
0xed: {  	[timem:s3], [sflag:s2] =	dma.local @!p0 [hbm:s0], s1  }
0xee: {  	s0 =	simm.s32 @!p0 $0xD  }
0xef: {  	_ =	swait.ge @!p0 [sflag:s0], s1  }
0xf0: {  	s1 =	ssub.s32 @!p0 $0x0, s1;
	[sflag:s0] =	ssyncset.done @!p0 $0x0  }
0xf1: {  	[sflag:s0] =	ssyncadd.s32 @!p0 s1  }
0xf2: {  	[bflag:$0x3] =	sbarrier.arrive $0xFFFF  }
0xf3: {  	_ =	shalt  }

</sc_bundles>
